<compile_context>
chip_gen: v7x
topology: tpu7x:2x2x1
jax: 0.10.2.dev20260603
libtpu: 0.0.44.dev20260713+nightly
codegen_flags: <defaults>
</compile_context>

<pallas_src>
import jax
import jax.numpy as jnp
from jax import lax
from jax.experimental import pallas as pl
from jax.experimental.pallas import tpu as pltpu
from jax.experimental.pallas import tpu_sc as plsc

N_NODES = 10000
N_EDGES = 320000
D = 128

NC = 2
NS = 16
NW = NC * NS
CHUNK = 128
CHUNKS_PER_W = 80
E_PAD = NW * CHUNKS_PER_W * CHUNK
EDGES_PER_W = CHUNKS_PER_W * CHUNK

N_PAD = 10240
RPT = N_PAD // NS
N_DUMMY = N_PAD - N_NODES

_mesh = plsc.VectorSubcoreMesh(core_axis_name="c", subcore_axis_name="s")


def _fill(buf, val):
    rows, cols = buf.shape

    @pl.loop(0, rows)
    def _r(i):
        @pl.loop(0, cols // 16)
        def _c(j):
            buf[i, pl.ds(j * 16, 16)] = jnp.full((16,), val, jnp.float32)


def _make_agg():

    def body(table, srcp, dstp, out, acc,
             srcv0, dstv0, srcv1, dstv1, rows0, rows1, sem0, sem1):
        c = lax.axis_index("c")
        s = lax.axis_index("s")
        w = s * NC + c

        _fill(rows0, 0.0)

        @pl.loop(0, RPT // CHUNK)
        def _zero(t):
            pltpu.sync_copy(rows0, acc.at[pl.ds(s * RPT + t * CHUNK, CHUNK)])

        plsc.subcore_barrier()

        base = w * EDGES_PER_W

        def load_idx(k, sv, dv):
            off = base + k * CHUNK
            pltpu.sync_copy(srcp.at[pl.ds(off, CHUNK)], sv)
            pltpu.sync_copy(dstp.at[pl.ds(off, CHUNK)], dv)

        load_idx(0, srcv0, dstv0)
        pltpu.async_copy(table.at[srcv0], rows0, sem0)
        half = CHUNKS_PER_W // 2

        @pl.loop(0, half)
        def _pair(t):
            a = 2 * t
            load_idx(a + 1, srcv1, dstv1)
            pltpu.async_copy(table.at[srcv1], rows1, sem1)
            pltpu.make_async_copy(table.at[srcv0], rows0, sem0).wait()
            pltpu.sync_copy(rows0, acc.at[dstv0], add=True)

            @pl.when(t < half - 1)
            def _next():
                load_idx(a + 2, srcv0, dstv0)
                pltpu.async_copy(table.at[srcv0], rows0, sem0)

            pltpu.make_async_copy(table.at[srcv1], rows1, sem1).wait()
            pltpu.sync_copy(rows1, acc.at[dstv1], add=True)

        plsc.subcore_barrier()

        @pl.loop(0, RPT // CHUNK)
        def _read(t):
            r = s * RPT + t * CHUNK
            pltpu.sync_copy(acc.at[pl.ds(r, CHUNK)], rows0)
            pltpu.sync_copy(rows0, out.at[pl.ds(c * N_PAD + r, CHUNK)])

    return pl.kernel(
        body,
        out_type=jax.ShapeDtypeStruct((NC * N_PAD, D), jnp.float32),
        mesh=_mesh,
        scratch_types=[
            pltpu.VMEM_SHARED((N_PAD, D), jnp.float32),
            pltpu.VMEM((CHUNK,), jnp.int32),
            pltpu.VMEM((CHUNK,), jnp.int32),
            pltpu.VMEM((CHUNK,), jnp.int32),
            pltpu.VMEM((CHUNK,), jnp.int32),
            pltpu.VMEM((CHUNK, D), jnp.float32),
            pltpu.VMEM((CHUNK, D), jnp.float32),
            pltpu.SemaphoreType.DMA,
            pltpu.SemaphoreType.DMA,
        ],
    )


def _make_deg():

    def body(dstp, out, acc, dstv0, dstv1, onesv, bounce, sem0, sem1):
        c = lax.axis_index("c")
        s = lax.axis_index("s")
        w = s * NC + c

        _fill(bounce, 0.0)

        @pl.loop(0, RPT // CHUNK)
        def _zero(t):
            pltpu.sync_copy(bounce, acc.at[pl.ds(s * RPT + t * CHUNK, CHUNK)])

        _fill(onesv, 1.0)
        plsc.subcore_barrier()

        base = w * EDGES_PER_W

        def load_dst(k, dv):
            pltpu.sync_copy(dstp.at[pl.ds(base + k * CHUNK, CHUNK)], dv)

        load_dst(0, dstv0)
        pltpu.async_copy(onesv, acc.at[dstv0], sem0, add=True)
        half = CHUNKS_PER_W // 2

        @pl.loop(0, half)
        def _pair(t):
            a = 2 * t
            load_dst(a + 1, dstv1)
            pltpu.async_copy(onesv, acc.at[dstv1], sem1, add=True)
            pltpu.make_async_copy(onesv, acc.at[dstv0], sem0).wait()

            @pl.when(t < half - 1)
            def _next():
                load_dst(a + 2, dstv0)
                pltpu.async_copy(onesv, acc.at[dstv0], sem0, add=True)

            pltpu.make_async_copy(onesv, acc.at[dstv1], sem1).wait()

        plsc.subcore_barrier()

        @pl.loop(0, RPT // CHUNK)
        def _read(t):
            r = s * RPT + t * CHUNK
            pltpu.sync_copy(acc.at[pl.ds(r, CHUNK)], bounce)
            pltpu.sync_copy(bounce, out.at[pl.ds(c * N_PAD + r, CHUNK)])

    return pl.kernel(
        body,
        out_type=jax.ShapeDtypeStruct((NC * N_PAD, D), jnp.float32),
        mesh=_mesh,
        scratch_types=[
            pltpu.VMEM_SHARED((N_PAD, D), jnp.float32),
            pltpu.VMEM((CHUNK,), jnp.int32),
            pltpu.VMEM((CHUNK,), jnp.int32),
            pltpu.VMEM((CHUNK, D), jnp.float32),
            pltpu.VMEM((CHUNK, D), jnp.float32),
            pltpu.SemaphoreType.DMA,
            pltpu.SemaphoreType.DMA,
        ],
    )


_agg2 = _make_agg()
_deg = _make_deg()

BLK = 1000
_GRID = N_NODES // BLK


def _mm2_body(x_ref, ws_ref, wn_ref, b_ref, xs_ref, xn_ref):
    xb = x_ref[...]
    xs_ref[...] = (jnp.dot(xb, ws_ref[...], preferred_element_type=jnp.float32)
                   + b_ref[...])
    xn_ref[...] = jnp.dot(xb, wn_ref[...], preferred_element_type=jnp.float32)


def _combine_mm2_body(xs_ref, p_ref, dg_ref, ws_ref, wn_ref, b_ref,
                      hs_ref, hn_ref):
    dsum = dg_ref[0, :, 0:1] + dg_ref[1, :, 0:1]
    invd = 1.0 / jnp.maximum(dsum, 1.0)
    h1 = jnp.maximum(xs_ref[...] + (p_ref[0] + p_ref[1]) * invd, 0.0)
    hs_ref[...] = (jnp.dot(h1, ws_ref[...], preferred_element_type=jnp.float32)
                   + b_ref[...])
    hn_ref[...] = jnp.dot(h1, wn_ref[...], preferred_element_type=jnp.float32)


def _combine_body(hs_ref, q_ref, dg_ref, out_ref):
    dsum = dg_ref[0, :, 0:1] + dg_ref[1, :, 0:1]
    invd = 1.0 / jnp.maximum(dsum, 1.0)
    out_ref[...] = jnp.maximum(
        hs_ref[...] + (q_ref[0] + q_ref[1]) * invd, 0.0)


def _row_spec(d=D):
    return pl.BlockSpec((BLK, d), lambda i: (i, 0))


def _pair_spec(d):
    return pl.BlockSpec((2, BLK, d), lambda i: (0, i, 0))


_W_SPEC = pl.BlockSpec((D, D), lambda i: (0, 0))
_B_SPEC = pl.BlockSpec((1, D), lambda i: (0, 0))

_mm2 = pl.pallas_call(
    _mm2_body,
    grid=(_GRID,),
    in_specs=[_row_spec(), _W_SPEC, _W_SPEC, _B_SPEC],
    out_specs=[_row_spec(), _row_spec()],
    out_shape=[jax.ShapeDtypeStruct((N_NODES, D), jnp.float32)] * 2,
)

_combine_mm2 = pl.pallas_call(
    _combine_mm2_body,
    grid=(_GRID,),
    in_specs=[_row_spec(), _pair_spec(D), _pair_spec(D),
              _W_SPEC, _W_SPEC, _B_SPEC],
    out_specs=[_row_spec(), _row_spec()],
    out_shape=[jax.ShapeDtypeStruct((N_NODES, D), jnp.float32)] * 2,
)

_combine = pl.pallas_call(
    _combine_body,
    grid=(_GRID,),
    in_specs=[_row_spec(), _pair_spec(D), _pair_spec(D)],
    out_specs=_row_spec(),
    out_shape=jax.ShapeDtypeStruct((N_NODES, D), jnp.float32),
)


@jax.jit
def kernel(x, edge_index, W1_self, W1_neigh, b1, W2_self, W2_neigh, b2):
    src = edge_index[0]
    dst = edge_index[1]
    n_fill = E_PAD - N_EDGES
    fill_idx = jnp.arange(n_fill, dtype=jnp.int32)
    src_p = jnp.concatenate([src, fill_idx % N_NODES])
    dst_p = jnp.concatenate([dst, N_NODES + fill_idx % N_DUMMY])
    b1r = b1.reshape(1, D)
    b2r = b2.reshape(1, D)

    xs, xn = _mm2(x, W1_self, W1_neigh, b1r)
    p = _agg2(xn, src_p, dst_p).reshape(NC, N_PAD, D)
    dp = _deg(dst_p).reshape(NC, N_PAD, D)
    hs, hn = _combine_mm2(xs, p, dp, W2_self, W2_neigh, b2r)
    q = _agg2(hn, src_p, dst_p).reshape(NC, N_PAD, D)
    return _combine(hs, q, dp)

# --- scband reference (transcript-rebuilt; emitter-appended) ---
"""Pipeline reference for scband-graph-sage-34514357191329 (READ-ONLY COPY).

The authoritative reference and input builder live on the scoring server;
editing this copy changes nothing except your own understanding.
"""

import jax, jax.numpy as jnp
import numpy as np

N_NODES = 10000
N_EDGES = 320000
D_IN = 128
D_HID = 128
D_OUT = 128


def setup_inputs(seed: int = 0) -> dict:
    key = jax.random.key(seed)
    ks = jax.random.split(key, 10)
    x = jax.random.normal(ks[0], (N_NODES, D_IN), dtype=jnp.float32)
    edge_index = jax.random.randint(ks[1], (2, N_EDGES), 0, N_NODES, dtype=jnp.int64 if jax.config.jax_enable_x64 else jnp.int32).astype(jnp.int32)
    s1 = 1.0 / np.sqrt(D_IN)
    s2 = 1.0 / np.sqrt(D_HID)
    W1_self = jax.random.uniform(ks[2], (D_IN, D_HID), jnp.float32, -s1, s1)
    W1_neigh = jax.random.uniform(ks[3], (D_IN, D_HID), jnp.float32, -s1, s1)
    b1 = jnp.zeros((D_HID,), jnp.float32)
    W2_self = jax.random.uniform(ks[4], (D_HID, D_OUT), jnp.float32, -s2, s2)
    W2_neigh = jax.random.uniform(ks[5], (D_HID, D_OUT), jnp.float32, -s2, s2)
    b2 = jnp.zeros((D_OUT,), jnp.float32)
    return {"x": x, "edge_index": edge_index, "W1_self": W1_self, "W1_neigh": W1_neigh, "b1": b1, "W2_self": W2_self, "W2_neigh": W2_neigh, "b2": b2}


def _mean_agg(h, src, dst, n_nodes):
    # mean aggregation of source-node features onto destination nodes
    msg_sum = jax.ops.segment_sum(jnp.take(h, src, axis=0), dst, num_segments=n_nodes)
    deg = jax.ops.segment_sum(jnp.ones((src.shape[0],), h.dtype), dst, num_segments=n_nodes)
    return msg_sum / jnp.clip(deg, 1.0, None)[:, None]


def _sage_conv(h, src, dst, W_self, W_neigh, b):
    # DGL SAGEConv with aggregator_type='mean':
    #   rst = fc_self(h_self) + fc_neigh(mean_neigh) + bias
    n_nodes = h.shape[0]
    h_neigh = _mean_agg(h, src, dst, n_nodes)
    return h @ W_self + h_neigh @ W_neigh + b


def reference(x, edge_index, W1_self, W1_neigh, b1, W2_self, W2_neigh, b2):
    src = edge_index[0]
    dst = edge_index[1]
    h = _sage_conv(x, src, dst, W1_self, W1_neigh, b1)
    h = jax.nn.relu(h)
    h = _sage_conv(h, src, dst, W2_self, W2_neigh, b2)
    h = jax.nn.relu(h)
    return h

if __name__ == "__main__":
    import jax
    _d = setup_inputs()
    print(jax.jit(kernel)(*tuple(_d.values())))

</pallas_src>

<mosaic_0001>
#map = affine_map<(d0, d1) -> (0)>
#map1 = affine_map<(d0, d1) -> (0, 0)>
module attributes {stable_mosaic.version = 14 : i64} {
  func.func @body(%arg0: i32, %arg1: i32, %arg2: memref<327680xi32, #tpu.memory_space<hbm>>, %arg3: memref<20480x128xf32, #tpu.memory_space<hbm>>, %arg4: memref<10240x128xf32, #tpu.memory_space<vmem_shared>>, %arg5: memref<128xi32, #tpu.memory_space<vmem>>, %arg6: memref<128xi32, #tpu.memory_space<vmem>>, %arg7: memref<128x128xf32, #tpu.memory_space<vmem>>, %arg8: memref<128x128xf32, #tpu.memory_space<vmem>>, %arg9: memref<!tpu.dma_semaphore, #tpu.memory_space<semaphore_mem>>, %arg10: memref<!tpu.dma_semaphore, #tpu.memory_space<semaphore_mem>>) attributes {dimension_semantics = [#tpu.dimension_semantics<core_parallel>, #tpu.dimension_semantics<subcore_parallel>], iteration_bounds = array<i64: 2, 16>, scalar_prefetch = 0 : i64, scratch_operands = 7 : i64, tpu.core_type = #tpu.core_type<sc_vector_subcore>, window_params = [{transform_indices = #map}, {transform_indices = #map1}]} {
    %mul3A = arith.constant 2 : i32
    %mul3A_0 = arith.muli %arg1, %mul3A : i32
    %add3A = arith.addi %mul3A_0, %arg0 : i32
    %scan3A = arith.constant 0 : i32
    %scan3A_1 = arith.constant 128 : i32
    %scan3A_2 = arith.addi %scan3A, %scan3A_1 : i32
    %scan3A_3 = arith.constant 1 : i32
    scf.for %scan3A_32 = %scan3A to %scan3A_2 step %scan3A_3  : i32 {
      %mul3A_33 = arith.constant 1 : i32
      %mul3A_34 = arith.muli %scan3A_32, %mul3A_33 : i32
      %add3A_35 = arith.constant 0 : i32
      %add3A_36 = arith.addi %add3A_35, %mul3A_34 : i32
      %scan3A_37 = arith.constant 0 : i32
      %scan3A_38 = arith.constant 8 : i32
      %scan3A_39 = arith.addi %scan3A_37, %scan3A_38 : i32
      %scan3A_40 = arith.constant 1 : i32
      scf.for %scan3A_42 = %scan3A_37 to %scan3A_39 step %scan3A_40  : i32 {
        %mul3A_43 = arith.constant 1 : i32
        %mul3A_44 = arith.muli %scan3A_42, %mul3A_43 : i32
        %add3A_45 = arith.constant 0 : i32
        %add3A_46 = arith.addi %add3A_45, %mul3A_44 : i32
        %broadcast_in_dim3A = arith.constant 0.000000e+00 : f32
        %broadcast_in_dim3A_47 = vector.broadcast %broadcast_in_dim3A : f32 to vector<16xf32>
        %mul3A_48 = arith.constant 16 : i32
        %mul3A_49 = arith.muli %add3A_46, %mul3A_48 : i32
        %swap3A = arith.index_cast %add3A_36 : i32 to index
        %swap3A_50 = arith.index_cast %mul3A_49 : i32 to index
        %swap3A_51 = tpu.vector_load %arg8[%swap3A, %swap3A_50] {strides = array<i32>} : memref<128x128xf32, #tpu.memory_space<vmem>>, vector<1x16xf32>,
        %swap3A_52 = vector.shape_cast %swap3A_51 : vector<1x16xf32> to vector<16xf32>
        %swap3A_53 = vector.shape_cast %broadcast_in_dim3A_47 : vector<16xf32> to vector<1x16xf32>
        tpu.vector_store %arg8[%swap3A, %swap3A_50], %swap3A_53 {strides = array<i32>} : memref<128x128xf32, #tpu.memory_space<vmem>>, vector<1x16xf32>,
      }
      %scan3A_41 = arith.constant 8 : i32
    }
    %scan3A_4 = arith.constant 128 : i32
    %scan3A_5 = arith.constant 0 : i32
    %scan3A_6 = arith.constant 5 : i32
    %scan3A_7 = arith.addi %scan3A_5, %scan3A_6 : i32
    %scan3A_8 = arith.constant 1 : i32
    scf.for %scan3A_32 = %scan3A_5 to %scan3A_7 step %scan3A_8  : i32 {
      %mul3A_33 = arith.constant 1 : i32
      %mul3A_34 = arith.muli %scan3A_32, %mul3A_33 : i32
      %add3A_35 = arith.constant 0 : i32
      %add3A_36 = arith.addi %add3A_35, %mul3A_34 : i32
      %mul3A_37 = arith.constant 640 : i32
      %mul3A_38 = arith.muli %arg1, %mul3A_37 : i32
      %mul3A_39 = arith.constant 128 : i32
      %mul3A_40 = arith.muli %add3A_36, %mul3A_39 : i32
      %add3A_41 = arith.addi %mul3A_38, %mul3A_40 : i32
      "tpu.region"() ({
        %run_scoped3A = tpu.sem_alloc : memref<!tpu.dma_semaphore, #tpu.memory_space<semaphore_mem>>
        %dma_start3A_42 = arith.constant 0 : i32
        %dma_start3A_43 = tpu.memref_slice %arg4[%add3A_41, %dma_start3A_42] : memref<10240x128xf32, #tpu.memory_space<vmem_shared>> -> memref<128x128xf32, #tpu.memory_space<vmem_shared>>
        %dma_start3A_44 = arith.constant 0 : i32
        %dma_start3A_45 = tpu.memref_slice %arg4[%add3A_41, %dma_start3A_44] : memref<10240x128xf32, #tpu.memory_space<vmem_shared>> -> memref<128x128xf32, #tpu.memory_space<vmem_shared>>
        tpu.enqueue_dma source(%arg8 : memref<128x128xf32, #tpu.memory_space<vmem>>) target(%dma_start3A_45 : memref<128x128xf32, #tpu.memory_space<vmem_shared>>) target_semaphore(%run_scoped3A : memref<!tpu.dma_semaphore, #tpu.memory_space<semaphore_mem>>)
        %dma_wait3A = arith.constant 0 : i32
        %dma_wait3A_46 = tpu.memref_slice %arg4[%add3A_41, %dma_wait3A] : memref<10240x128xf32, #tpu.memory_space<vmem_shared>> -> memref<128x128xf32, #tpu.memory_space<vmem_shared>>
        %dma_wait3A_47 = arith.constant 0 : i32
        %dma_wait3A_48 = tpu.memref_slice %arg4[%add3A_41, %dma_wait3A_47] : memref<10240x128xf32, #tpu.memory_space<vmem_shared>> -> memref<128x128xf32, #tpu.memory_space<vmem_shared>>
        tpu.wait_dma2 semaphore(%run_scoped3A : memref<!tpu.dma_semaphore, #tpu.memory_space<semaphore_mem>>) src(%arg8 : memref<128x128xf32, #tpu.memory_space<vmem>>) dst(%dma_wait3A_48 : memref<128x128xf32, #tpu.memory_space<vmem_shared>>)
        tpu.yield
      }) : () -> ()
    }
    %scan3A_9 = arith.constant 5 : i32
    %scan3A_10 = arith.constant 0 : i32
    %scan3A_11 = arith.constant 128 : i32
    %scan3A_12 = arith.addi %scan3A_10, %scan3A_11 : i32
    %scan3A_13 = arith.constant 1 : i32
    scf.for %scan3A_32 = %scan3A_10 to %scan3A_12 step %scan3A_13  : i32 {
      %mul3A_33 = arith.constant 1 : i32
      %mul3A_34 = arith.muli %scan3A_32, %mul3A_33 : i32
      %add3A_35 = arith.constant 0 : i32
      %add3A_36 = arith.addi %add3A_35, %mul3A_34 : i32
      %scan3A_37 = arith.constant 0 : i32
      %scan3A_38 = arith.constant 8 : i32
      %scan3A_39 = arith.addi %scan3A_37, %scan3A_38 : i32
      %scan3A_40 = arith.constant 1 : i32
      scf.for %scan3A_42 = %scan3A_37 to %scan3A_39 step %scan3A_40  : i32 {
        %mul3A_43 = arith.constant 1 : i32
        %mul3A_44 = arith.muli %scan3A_42, %mul3A_43 : i32
        %add3A_45 = arith.constant 0 : i32
        %add3A_46 = arith.addi %add3A_45, %mul3A_44 : i32
        %broadcast_in_dim3A = arith.constant 1.000000e+00 : f32
        %broadcast_in_dim3A_47 = vector.broadcast %broadcast_in_dim3A : f32 to vector<16xf32>
        %mul3A_48 = arith.constant 16 : i32
        %mul3A_49 = arith.muli %add3A_46, %mul3A_48 : i32
        %swap3A = arith.index_cast %add3A_36 : i32 to index
        %swap3A_50 = arith.index_cast %mul3A_49 : i32 to index
        %swap3A_51 = tpu.vector_load %arg7[%swap3A, %swap3A_50] {strides = array<i32>} : memref<128x128xf32, #tpu.memory_space<vmem>>, vector<1x16xf32>,
        %swap3A_52 = vector.shape_cast %swap3A_51 : vector<1x16xf32> to vector<16xf32>
        %swap3A_53 = vector.shape_cast %broadcast_in_dim3A_47 : vector<16xf32> to vector<1x16xf32>
        tpu.vector_store %arg7[%swap3A, %swap3A_50], %swap3A_53 {strides = array<i32>} : memref<128x128xf32, #tpu.memory_space<vmem>>, vector<1x16xf32>,
      }
      %scan3A_41 = arith.constant 8 : i32
    }
    %scan3A_14 = arith.constant 128 : i32
    %barrier3A = arith.constant 0 : index
    tpu.barrier barrier_id(%barrier3A)
    %mul3A_15 = arith.constant 10240 : i32
    %mul3A_16 = arith.muli %add3A, %mul3A_15 : i32
    %add3A_17 = arith.constant 0 : i32
    %add3A_18 = arith.addi %mul3A_16, %add3A_17 : i32
    "tpu.region"() ({
      %run_scoped3A = tpu.sem_alloc : memref<!tpu.dma_semaphore, #tpu.memory_space<semaphore_mem>>
      %dma_start3A_32 = tpu.memref_slice %arg2[%add3A_18] : memref<327680xi32, #tpu.memory_space<hbm>> -> memref<128xi32, #tpu.memory_space<hbm>>
      %dma_start3A_33 = tpu.memref_slice %arg2[%add3A_18] : memref<327680xi32, #tpu.memory_space<hbm>> -> memref<128xi32, #tpu.memory_space<hbm>>
      tpu.enqueue_dma source(%dma_start3A_33 : memref<128xi32, #tpu.memory_space<hbm>>) target(%arg5 : memref<128xi32, #tpu.memory_space<vmem>>) target_semaphore(%run_scoped3A : memref<!tpu.dma_semaphore, #tpu.memory_space<semaphore_mem>>)
      %dma_wait3A = tpu.memref_slice %arg2[%add3A_18] : memref<327680xi32, #tpu.memory_space<hbm>> -> memref<128xi32, #tpu.memory_space<hbm>>
      %dma_wait3A_34 = tpu.memref_slice %arg2[%add3A_18] : memref<327680xi32, #tpu.memory_space<hbm>> -> memref<128xi32, #tpu.memory_space<hbm>>
      tpu.wait_dma2 semaphore(%run_scoped3A : memref<!tpu.dma_semaphore, #tpu.memory_space<semaphore_mem>>) src(%dma_wait3A_34 : memref<128xi32, #tpu.memory_space<hbm>>) dst(%arg5 : memref<128xi32, #tpu.memory_space<vmem>>)
      tpu.yield
    }) : () -> ()
    %dma_start3A = arith.constant 0 : i32
    %dma_start3A_19 = arith.constant 0 : i32
    %dma_start3A_20 = tpu.memref_slice %arg4[%dma_start3A, %dma_start3A_19] : memref<10240x128xf32, #tpu.memory_space<vmem_shared>> -> memref<10240x128xf32, #tpu.memory_space<vmem_shared>>
    tpu.enqueue_indirect_dma source(%arg7 : memref<128x128xf32, #tpu.memory_space<vmem>>) target(%dma_start3A_20 : memref<10240x128xf32, #tpu.memory_space<vmem_shared>>) offsets(%arg5 : memref<128xi32, #tpu.memory_space<vmem>>) semaphore(%arg9 : memref<!tpu.dma_semaphore, #tpu.memory_space<semaphore_mem>>) {add = true}
    %scan3A_21 = arith.constant 0 : i32
    %scan3A_22 = arith.constant 40 : i32
    %scan3A_23 = arith.addi %scan3A_21, %scan3A_22 : i32
    %scan3A_24 = arith.constant 1 : i32
    scf.for %scan3A_32 = %scan3A_21 to %scan3A_23 step %scan3A_24  : i32 {
      %mul3A_33 = arith.constant 1 : i32
      %mul3A_34 = arith.muli %scan3A_32, %mul3A_33 : i32
      %add3A_35 = arith.constant 0 : i32
      %add3A_36 = arith.addi %add3A_35, %mul3A_34 : i32
      %mul3A_37 = arith.constant 2 : i32
      %mul3A_38 = arith.muli %mul3A_37, %add3A_36 : i32
      %add3A_39 = arith.constant 1 : i32
      %add3A_40 = arith.addi %mul3A_38, %add3A_39 : i32
      %mul3A_41 = arith.constant 128 : i32
      %mul3A_42 = arith.muli %add3A_40, %mul3A_41 : i32
      %add3A_43 = arith.addi %mul3A_16, %mul3A_42 : i32
      "tpu.region"() ({
        %run_scoped3A = tpu.sem_alloc : memref<!tpu.dma_semaphore, #tpu.memory_space<semaphore_mem>>
        %dma_start3A_54 = tpu.memref_slice %arg2[%add3A_43] : memref<327680xi32, #tpu.memory_space<hbm>> -> memref<128xi32, #tpu.memory_space<hbm>>
        %dma_start3A_55 = tpu.memref_slice %arg2[%add3A_43] : memref<327680xi32, #tpu.memory_space<hbm>> -> memref<128xi32, #tpu.memory_space<hbm>>
        tpu.enqueue_dma source(%dma_start3A_55 : memref<128xi32, #tpu.memory_space<hbm>>) target(%arg6 : memref<128xi32, #tpu.memory_space<vmem>>) target_semaphore(%run_scoped3A : memref<!tpu.dma_semaphore, #tpu.memory_space<semaphore_mem>>)
        %dma_wait3A_56 = tpu.memref_slice %arg2[%add3A_43] : memref<327680xi32, #tpu.memory_space<hbm>> -> memref<128xi32, #tpu.memory_space<hbm>>
        %dma_wait3A_57 = tpu.memref_slice %arg2[%add3A_43] : memref<327680xi32, #tpu.memory_space<hbm>> -> memref<128xi32, #tpu.memory_space<hbm>>
        tpu.wait_dma2 semaphore(%run_scoped3A : memref<!tpu.dma_semaphore, #tpu.memory_space<semaphore_mem>>) src(%dma_wait3A_57 : memref<128xi32, #tpu.memory_space<hbm>>) dst(%arg6 : memref<128xi32, #tpu.memory_space<vmem>>)
        tpu.yield
      }) : () -> ()
      %dma_start3A_44 = arith.constant 0 : i32
      %dma_start3A_45 = arith.constant 0 : i32
      %dma_start3A_46 = tpu.memref_slice %arg4[%dma_start3A_44, %dma_start3A_45] : memref<10240x128xf32, #tpu.memory_space<vmem_shared>> -> memref<10240x128xf32, #tpu.memory_space<vmem_shared>>
      tpu.enqueue_indirect_dma source(%arg7 : memref<128x128xf32, #tpu.memory_space<vmem>>) target(%dma_start3A_46 : memref<10240x128xf32, #tpu.memory_space<vmem_shared>>) offsets(%arg6 : memref<128xi32, #tpu.memory_space<vmem>>) semaphore(%arg10 : memref<!tpu.dma_semaphore, #tpu.memory_space<semaphore_mem>>) {add = true}
      %dma_wait3A = arith.constant 0 : i32
      %dma_wait3A_47 = arith.constant 0 : i32
      %dma_wait3A_48 = tpu.memref_slice %arg4[%dma_wait3A, %dma_wait3A_47] : memref<10240x128xf32, #tpu.memory_space<vmem_shared>> -> memref<10240x128xf32, #tpu.memory_space<vmem_shared>>
      tpu.wait_indirect_dma semaphore(%arg9 : memref<!tpu.dma_semaphore, #tpu.memory_space<semaphore_mem>>) src(%arg7 : memref<128x128xf32, #tpu.memory_space<vmem>>) dst(%dma_wait3A_48 : memref<10240x128xf32, #tpu.memory_space<vmem_shared>>)
      %lt3A = arith.constant 39 : i32
      %lt3A_49 = arith.cmpi slt, %add3A_36, %lt3A : i32
      %convert_element_type3A = arith.extui %lt3A_49 : i1 to i32
      %cond3A = arith.constant 0 : i32
      %cond3A_50 = arith.cmpi ne, %convert_element_type3A, %cond3A : i32
      scf.if %cond3A_50 {
        %add3A_54 = arith.constant 2 : i32
        %add3A_55 = arith.addi %mul3A_38, %add3A_54 : i32
        %mul3A_56 = arith.constant 128 : i32
        %mul3A_57 = arith.muli %add3A_55, %mul3A_56 : i32
        %add3A_58 = arith.addi %mul3A_16, %mul3A_57 : i32
        "tpu.region"() ({
          %run_scoped3A = tpu.sem_alloc : memref<!tpu.dma_semaphore, #tpu.memory_space<semaphore_mem>>
          %dma_start3A_62 = tpu.memref_slice %arg2[%add3A_58] : memref<327680xi32, #tpu.memory_space<hbm>> -> memref<128xi32, #tpu.memory_space<hbm>>
          %dma_start3A_63 = tpu.memref_slice %arg2[%add3A_58] : memref<327680xi32, #tpu.memory_space<hbm>> -> memref<128xi32, #tpu.memory_space<hbm>>
          tpu.enqueue_dma source(%dma_start3A_63 : memref<128xi32, #tpu.memory_space<hbm>>) target(%arg5 : memref<128xi32, #tpu.memory_space<vmem>>) target_semaphore(%run_scoped3A : memref<!tpu.dma_semaphore, #tpu.memory_space<semaphore_mem>>)
          %dma_wait3A_64 = tpu.memref_slice %arg2[%add3A_58] : memref<327680xi32, #tpu.memory_space<hbm>> -> memref<128xi32, #tpu.memory_space<hbm>>
          %dma_wait3A_65 = tpu.memref_slice %arg2[%add3A_58] : memref<327680xi32, #tpu.memory_space<hbm>> -> memref<128xi32, #tpu.memory_space<hbm>>
          tpu.wait_dma2 semaphore(%run_scoped3A : memref<!tpu.dma_semaphore, #tpu.memory_space<semaphore_mem>>) src(%dma_wait3A_65 : memref<128xi32, #tpu.memory_space<hbm>>) dst(%arg5 : memref<128xi32, #tpu.memory_space<vmem>>)
          tpu.yield
        }) : () -> ()
        %dma_start3A_59 = arith.constant 0 : i32
        %dma_start3A_60 = arith.constant 0 : i32
        %dma_start3A_61 = tpu.memref_slice %arg4[%dma_start3A_59, %dma_start3A_60] : memref<10240x128xf32, #tpu.memory_space<vmem_shared>> -> memref<10240x128xf32, #tpu.memory_space<vmem_shared>>
        tpu.enqueue_indirect_dma source(%arg7 : memref<128x128xf32, #tpu.memory_space<vmem>>) target(%dma_start3A_61 : memref<10240x128xf32, #tpu.memory_space<vmem_shared>>) offsets(%arg5 : memref<128xi32, #tpu.memory_space<vmem>>) semaphore(%arg9 : memref<!tpu.dma_semaphore, #tpu.memory_space<semaphore_mem>>) {add = true}
      } else {
      }
      %dma_wait3A_51 = arith.constant 0 : i32
      %dma_wait3A_52 = arith.constant 0 : i32
      %dma_wait3A_53 = tpu.memref_slice %arg4[%dma_wait3A_51, %dma_wait3A_52] : memref<10240x128xf32, #tpu.memory_space<vmem_shared>> -> memref<10240x128xf32, #tpu.memory_space<vmem_shared>>
      tpu.wait_indirect_dma semaphore(%arg10 : memref<!tpu.dma_semaphore, #tpu.memory_space<semaphore_mem>>) src(%arg7 : memref<128x128xf32, #tpu.memory_space<vmem>>) dst(%dma_wait3A_53 : memref<10240x128xf32, #tpu.memory_space<vmem_shared>>)
    }
    %scan3A_25 = arith.constant 40 : i32
    %barrier3A_26 = arith.constant 0 : index
    tpu.barrier barrier_id(%barrier3A_26)
    %scan3A_27 = arith.constant 0 : i32
    %scan3A_28 = arith.constant 5 : i32
    %scan3A_29 = arith.addi %scan3A_27, %scan3A_28 : i32
    %scan3A_30 = arith.constant 1 : i32
    scf.for %scan3A_32 = %scan3A_27 to %scan3A_29 step %scan3A_30  : i32 {
      %mul3A_33 = arith.constant 1 : i32
      %mul3A_34 = arith.muli %scan3A_32, %mul3A_33 : i32
      %add3A_35 = arith.constant 0 : i32
      %add3A_36 = arith.addi %add3A_35, %mul3A_34 : i32
      %mul3A_37 = arith.constant 640 : i32
      %mul3A_38 = arith.muli %arg1, %mul3A_37 : i32
      %mul3A_39 = arith.constant 128 : i32
      %mul3A_40 = arith.muli %add3A_36, %mul3A_39 : i32
      %add3A_41 = arith.addi %mul3A_38, %mul3A_40 : i32
      "tpu.region"() ({
        %run_scoped3A = tpu.sem_alloc : memref<!tpu.dma_semaphore, #tpu.memory_space<semaphore_mem>>
        %dma_start3A_45 = arith.constant 0 : i32
        %dma_start3A_46 = tpu.memref_slice %arg4[%add3A_41, %dma_start3A_45] : memref<10240x128xf32, #tpu.memory_space<vmem_shared>> -> memref<128x128xf32, #tpu.memory_space<vmem_shared>>
        %dma_start3A_47 = arith.constant 0 : i32
        %dma_start3A_48 = tpu.memref_slice %arg4[%add3A_41, %dma_start3A_47] : memref<10240x128xf32, #tpu.memory_space<vmem_shared>> -> memref<128x128xf32, #tpu.memory_space<vmem_shared>>
        tpu.enqueue_dma source(%dma_start3A_48 : memref<128x128xf32, #tpu.memory_space<vmem_shared>>) target(%arg8 : memref<128x128xf32, #tpu.memory_space<vmem>>) target_semaphore(%run_scoped3A : memref<!tpu.dma_semaphore, #tpu.memory_space<semaphore_mem>>)
        %dma_wait3A = arith.constant 0 : i32
        %dma_wait3A_49 = tpu.memref_slice %arg4[%add3A_41, %dma_wait3A] : memref<10240x128xf32, #tpu.memory_space<vmem_shared>> -> memref<128x128xf32, #tpu.memory_space<vmem_shared>>
        %dma_wait3A_50 = arith.constant 0 : i32
        %dma_wait3A_51 = tpu.memref_slice %arg4[%add3A_41, %dma_wait3A_50] : memref<10240x128xf32, #tpu.memory_space<vmem_shared>> -> memref<128x128xf32, #tpu.memory_space<vmem_shared>>
        tpu.wait_dma2 semaphore(%run_scoped3A : memref<!tpu.dma_semaphore, #tpu.memory_space<semaphore_mem>>) src(%dma_wait3A_51 : memref<128x128xf32, #tpu.memory_space<vmem_shared>>) dst(%arg8 : memref<128x128xf32, #tpu.memory_space<vmem>>)
        tpu.yield
      }) : () -> ()
      %mul3A_42 = arith.constant 10240 : i32
      %mul3A_43 = arith.muli %arg0, %mul3A_42 : i32
      %add3A_44 = arith.addi %mul3A_43, %add3A_41 : i32
      "tpu.region"() ({
        %run_scoped3A = tpu.sem_alloc : memref<!tpu.dma_semaphore, #tpu.memory_space<semaphore_mem>>
        %dma_start3A_45 = arith.constant 0 : i32
        %dma_start3A_46 = tpu.memref_slice %arg3[%add3A_44, %dma_start3A_45] : memref<20480x128xf32, #tpu.memory_space<hbm>> -> memref<128x128xf32, #tpu.memory_space<hbm>>
        %dma_start3A_47 = arith.constant 0 : i32
        %dma_start3A_48 = tpu.memref_slice %arg3[%add3A_44, %dma_start3A_47] : memref<20480x128xf32, #tpu.memory_space<hbm>> -> memref<128x128xf32, #tpu.memory_space<hbm>>
        tpu.enqueue_dma source(%arg8 : memref<128x128xf32, #tpu.memory_space<vmem>>) target(%dma_start3A_48 : memref<128x128xf32, #tpu.memory_space<hbm>>) target_semaphore(%run_scoped3A : memref<!tpu.dma_semaphore, #tpu.memory_space<semaphore_mem>>)
        %dma_wait3A = arith.constant 0 : i32
        %dma_wait3A_49 = tpu.memref_slice %arg3[%add3A_44, %dma_wait3A] : memref<20480x128xf32, #tpu.memory_space<hbm>> -> memref<128x128xf32, #tpu.memory_space<hbm>>
        %dma_wait3A_50 = arith.constant 0 : i32
        %dma_wait3A_51 = tpu.memref_slice %arg3[%add3A_44, %dma_wait3A_50] : memref<20480x128xf32, #tpu.memory_space<hbm>> -> memref<128x128xf32, #tpu.memory_space<hbm>>
        tpu.wait_dma2 semaphore(%run_scoped3A : memref<!tpu.dma_semaphore, #tpu.memory_space<semaphore_mem>>) src(%arg8 : memref<128x128xf32, #tpu.memory_space<vmem>>) dst(%dma_wait3A_51 : memref<128x128xf32, #tpu.memory_space<hbm>>)
        tpu.yield
      }) : () -> ()
    }
    %scan3A_31 = arith.constant 5 : i32
    return
  }
}

#map = affine_map<(d0, d1) -> (0, 0)>
#map1 = affine_map<(d0, d1) -> (0)>
module attributes {stable_mosaic.version = 14 : i64} {
  func.func @body(%arg0: i32, %arg1: i32, %arg2: memref<10000x128xf32, #tpu.memory_space<hbm>>, %arg3: memref<327680xi32, #tpu.memory_space<hbm>>, %arg4: memref<327680xi32, #tpu.memory_space<hbm>>, %arg5: memref<20480x128xf32, #tpu.memory_space<hbm>>, %arg6: memref<10240x128xf32, #tpu.memory_space<vmem_shared>>, %arg7: memref<128xi32, #tpu.memory_space<vmem>>, %arg8: memref<128xi32, #tpu.memory_space<vmem>>, %arg9: memref<128xi32, #tpu.memory_space<vmem>>, %arg10: memref<128xi32, #tpu.memory_space<vmem>>, %arg11: memref<128x128xf32, #tpu.memory_space<vmem>>, %arg12: memref<128x128xf32, #tpu.memory_space<vmem>>, %arg13: memref<!tpu.dma_semaphore, #tpu.memory_space<semaphore_mem>>, %arg14: memref<!tpu.dma_semaphore, #tpu.memory_space<semaphore_mem>>) attributes {dimension_semantics = [#tpu.dimension_semantics<core_parallel>, #tpu.dimension_semantics<subcore_parallel>], iteration_bounds = array<i64: 2, 16>, scalar_prefetch = 0 : i64, scratch_operands = 9 : i64, tpu.core_type = #tpu.core_type<sc_vector_subcore>, window_params = [{transform_indices = #map}, {transform_indices = #map1}, {transform_indices = #map1}, {transform_indices = #map}]} {
    %mul3A = arith.constant 2 : i32
    %mul3A_0 = arith.muli %arg1, %mul3A : i32
    %add3A = arith.addi %mul3A_0, %arg0 : i32
    %scan3A = arith.constant 0 : i32
    %scan3A_1 = arith.constant 128 : i32
    %scan3A_2 = arith.addi %scan3A, %scan3A_1 : i32
    %scan3A_3 = arith.constant 1 : i32
    scf.for %scan3A_27 = %scan3A to %scan3A_2 step %scan3A_3  : i32 {
      %mul3A_28 = arith.constant 1 : i32
      %mul3A_29 = arith.muli %scan3A_27, %mul3A_28 : i32
      %add3A_30 = arith.constant 0 : i32
      %add3A_31 = arith.addi %add3A_30, %mul3A_29 : i32
      %scan3A_32 = arith.constant 0 : i32
      %scan3A_33 = arith.constant 8 : i32
      %scan3A_34 = arith.addi %scan3A_32, %scan3A_33 : i32
      %scan3A_35 = arith.constant 1 : i32
      scf.for %scan3A_37 = %scan3A_32 to %scan3A_34 step %scan3A_35  : i32 {
        %mul3A_38 = arith.constant 1 : i32
        %mul3A_39 = arith.muli %scan3A_37, %mul3A_38 : i32
        %add3A_40 = arith.constant 0 : i32
        %add3A_41 = arith.addi %add3A_40, %mul3A_39 : i32
        %broadcast_in_dim3A = arith.constant 0.000000e+00 : f32
        %broadcast_in_dim3A_42 = vector.broadcast %broadcast_in_dim3A : f32 to vector<16xf32>
        %mul3A_43 = arith.constant 16 : i32
        %mul3A_44 = arith.muli %add3A_41, %mul3A_43 : i32
        %swap3A = arith.index_cast %add3A_31 : i32 to index
        %swap3A_45 = arith.index_cast %mul3A_44 : i32 to index
        %swap3A_46 = tpu.vector_load %arg11[%swap3A, %swap3A_45] {strides = array<i32>} : memref<128x128xf32, #tpu.memory_space<vmem>>, vector<1x16xf32>,
        %swap3A_47 = vector.shape_cast %swap3A_46 : vector<1x16xf32> to vector<16xf32>
        %swap3A_48 = vector.shape_cast %broadcast_in_dim3A_42 : vector<16xf32> to vector<1x16xf32>
        tpu.vector_store %arg11[%swap3A, %swap3A_45], %swap3A_48 {strides = array<i32>} : memref<128x128xf32, #tpu.memory_space<vmem>>, vector<1x16xf32>,
      }
      %scan3A_36 = arith.constant 8 : i32
    }
    %scan3A_4 = arith.constant 128 : i32
    %scan3A_5 = arith.constant 0 : i32
    %scan3A_6 = arith.constant 5 : i32
    %scan3A_7 = arith.addi %scan3A_5, %scan3A_6 : i32
    %scan3A_8 = arith.constant 1 : i32
    scf.for %scan3A_27 = %scan3A_5 to %scan3A_7 step %scan3A_8  : i32 {
      %mul3A_28 = arith.constant 1 : i32
      %mul3A_29 = arith.muli %scan3A_27, %mul3A_28 : i32
      %add3A_30 = arith.constant 0 : i32
      %add3A_31 = arith.addi %add3A_30, %mul3A_29 : i32
      %mul3A_32 = arith.constant 640 : i32
      %mul3A_33 = arith.muli %arg1, %mul3A_32 : i32
      %mul3A_34 = arith.constant 128 : i32
      %mul3A_35 = arith.muli %add3A_31, %mul3A_34 : i32
      %add3A_36 = arith.addi %mul3A_33, %mul3A_35 : i32
      "tpu.region"() ({
        %run_scoped3A = tpu.sem_alloc : memref<!tpu.dma_semaphore, #tpu.memory_space<semaphore_mem>>
        %dma_start3A_37 = arith.constant 0 : i32
        %dma_start3A_38 = tpu.memref_slice %arg6[%add3A_36, %dma_start3A_37] : memref<10240x128xf32, #tpu.memory_space<vmem_shared>> -> memref<128x128xf32, #tpu.memory_space<vmem_shared>>
        %dma_start3A_39 = arith.constant 0 : i32
        %dma_start3A_40 = tpu.memref_slice %arg6[%add3A_36, %dma_start3A_39] : memref<10240x128xf32, #tpu.memory_space<vmem_shared>> -> memref<128x128xf32, #tpu.memory_space<vmem_shared>>
        tpu.enqueue_dma source(%arg11 : memref<128x128xf32, #tpu.memory_space<vmem>>) target(%dma_start3A_40 : memref<128x128xf32, #tpu.memory_space<vmem_shared>>) target_semaphore(%run_scoped3A : memref<!tpu.dma_semaphore, #tpu.memory_space<semaphore_mem>>)
        %dma_wait3A = arith.constant 0 : i32
        %dma_wait3A_41 = tpu.memref_slice %arg6[%add3A_36, %dma_wait3A] : memref<10240x128xf32, #tpu.memory_space<vmem_shared>> -> memref<128x128xf32, #tpu.memory_space<vmem_shared>>
        %dma_wait3A_42 = arith.constant 0 : i32
        %dma_wait3A_43 = tpu.memref_slice %arg6[%add3A_36, %dma_wait3A_42] : memref<10240x128xf32, #tpu.memory_space<vmem_shared>> -> memref<128x128xf32, #tpu.memory_space<vmem_shared>>
        tpu.wait_dma2 semaphore(%run_scoped3A : memref<!tpu.dma_semaphore, #tpu.memory_space<semaphore_mem>>) src(%arg11 : memref<128x128xf32, #tpu.memory_space<vmem>>) dst(%dma_wait3A_43 : memref<128x128xf32, #tpu.memory_space<vmem_shared>>)
        tpu.yield
      }) : () -> ()
    }
    %scan3A_9 = arith.constant 5 : i32
    %barrier3A = arith.constant 0 : index
    tpu.barrier barrier_id(%barrier3A)
    %mul3A_10 = arith.constant 10240 : i32
    %mul3A_11 = arith.muli %add3A, %mul3A_10 : i32
    %add3A_12 = arith.constant 0 : i32
    %add3A_13 = arith.addi %mul3A_11, %add3A_12 : i32
    "tpu.region"() ({
      %run_scoped3A = tpu.sem_alloc : memref<!tpu.dma_semaphore, #tpu.memory_space<semaphore_mem>>
      %dma_start3A_27 = tpu.memref_slice %arg3[%add3A_13] : memref<327680xi32, #tpu.memory_space<hbm>> -> memref<128xi32, #tpu.memory_space<hbm>>
      %dma_start3A_28 = tpu.memref_slice %arg3[%add3A_13] : memref<327680xi32, #tpu.memory_space<hbm>> -> memref<128xi32, #tpu.memory_space<hbm>>
      tpu.enqueue_dma source(%dma_start3A_28 : memref<128xi32, #tpu.memory_space<hbm>>) target(%arg7 : memref<128xi32, #tpu.memory_space<vmem>>) target_semaphore(%run_scoped3A : memref<!tpu.dma_semaphore, #tpu.memory_space<semaphore_mem>>)
      %dma_wait3A = tpu.memref_slice %arg3[%add3A_13] : memref<327680xi32, #tpu.memory_space<hbm>> -> memref<128xi32, #tpu.memory_space<hbm>>
      %dma_wait3A_29 = tpu.memref_slice %arg3[%add3A_13] : memref<327680xi32, #tpu.memory_space<hbm>> -> memref<128xi32, #tpu.memory_space<hbm>>
      tpu.wait_dma2 semaphore(%run_scoped3A : memref<!tpu.dma_semaphore, #tpu.memory_space<semaphore_mem>>) src(%dma_wait3A_29 : memref<128xi32, #tpu.memory_space<hbm>>) dst(%arg7 : memref<128xi32, #tpu.memory_space<vmem>>)
      tpu.yield
    }) : () -> ()
    "tpu.region"() ({
      %run_scoped3A = tpu.sem_alloc : memref<!tpu.dma_semaphore, #tpu.memory_space<semaphore_mem>>
      %dma_start3A_27 = tpu.memref_slice %arg4[%add3A_13] : memref<327680xi32, #tpu.memory_space<hbm>> -> memref<128xi32, #tpu.memory_space<hbm>>
      %dma_start3A_28 = tpu.memref_slice %arg4[%add3A_13] : memref<327680xi32, #tpu.memory_space<hbm>> -> memref<128xi32, #tpu.memory_space<hbm>>
      tpu.enqueue_dma source(%dma_start3A_28 : memref<128xi32, #tpu.memory_space<hbm>>) target(%arg8 : memref<128xi32, #tpu.memory_space<vmem>>) target_semaphore(%run_scoped3A : memref<!tpu.dma_semaphore, #tpu.memory_space<semaphore_mem>>)
      %dma_wait3A = tpu.memref_slice %arg4[%add3A_13] : memref<327680xi32, #tpu.memory_space<hbm>> -> memref<128xi32, #tpu.memory_space<hbm>>
      %dma_wait3A_29 = tpu.memref_slice %arg4[%add3A_13] : memref<327680xi32, #tpu.memory_space<hbm>> -> memref<128xi32, #tpu.memory_space<hbm>>
      tpu.wait_dma2 semaphore(%run_scoped3A : memref<!tpu.dma_semaphore, #tpu.memory_space<semaphore_mem>>) src(%dma_wait3A_29 : memref<128xi32, #tpu.memory_space<hbm>>) dst(%arg8 : memref<128xi32, #tpu.memory_space<vmem>>)
      tpu.yield
    }) : () -> ()
    %dma_start3A = arith.constant 0 : i32
    %dma_start3A_14 = arith.constant 0 : i32
    %dma_start3A_15 = tpu.memref_slice %arg2[%dma_start3A, %dma_start3A_14] : memref<10000x128xf32, #tpu.memory_space<hbm>> -> memref<10000x128xf32, #tpu.memory_space<hbm>>
    tpu.enqueue_indirect_dma source(%dma_start3A_15 : memref<10000x128xf32, #tpu.memory_space<hbm>>) target(%arg11 : memref<128x128xf32, #tpu.memory_space<vmem>>) offsets(%arg7 : memref<128xi32, #tpu.memory_space<vmem>>) semaphore(%arg13 : memref<!tpu.dma_semaphore, #tpu.memory_space<semaphore_mem>>)
    %scan3A_16 = arith.constant 0 : i32
    %scan3A_17 = arith.constant 40 : i32
    %scan3A_18 = arith.addi %scan3A_16, %scan3A_17 : i32
    %scan3A_19 = arith.constant 1 : i32
    scf.for %scan3A_27 = %scan3A_16 to %scan3A_18 step %scan3A_19  : i32 {
      %mul3A_28 = arith.constant 1 : i32
      %mul3A_29 = arith.muli %scan3A_27, %mul3A_28 : i32
      %add3A_30 = arith.constant 0 : i32
      %add3A_31 = arith.addi %add3A_30, %mul3A_29 : i32
      %mul3A_32 = arith.constant 2 : i32
      %mul3A_33 = arith.muli %mul3A_32, %add3A_31 : i32
      %add3A_34 = arith.constant 1 : i32
      %add3A_35 = arith.addi %mul3A_33, %add3A_34 : i32
      %mul3A_36 = arith.constant 128 : i32
      %mul3A_37 = arith.muli %add3A_35, %mul3A_36 : i32
      %add3A_38 = arith.addi %mul3A_11, %mul3A_37 : i32
      "tpu.region"() ({
        %run_scoped3A = tpu.sem_alloc : memref<!tpu.dma_semaphore, #tpu.memory_space<semaphore_mem>>
        %dma_start3A_49 = tpu.memref_slice %arg3[%add3A_38] : memref<327680xi32, #tpu.memory_space<hbm>> -> memref<128xi32, #tpu.memory_space<hbm>>
        %dma_start3A_50 = tpu.memref_slice %arg3[%add3A_38] : memref<327680xi32, #tpu.memory_space<hbm>> -> memref<128xi32, #tpu.memory_space<hbm>>
        tpu.enqueue_dma source(%dma_start3A_50 : memref<128xi32, #tpu.memory_space<hbm>>) target(%arg9 : memref<128xi32, #tpu.memory_space<vmem>>) target_semaphore(%run_scoped3A : memref<!tpu.dma_semaphore, #tpu.memory_space<semaphore_mem>>)
        %dma_wait3A_51 = tpu.memref_slice %arg3[%add3A_38] : memref<327680xi32, #tpu.memory_space<hbm>> -> memref<128xi32, #tpu.memory_space<hbm>>
        %dma_wait3A_52 = tpu.memref_slice %arg3[%add3A_38] : memref<327680xi32, #tpu.memory_space<hbm>> -> memref<128xi32, #tpu.memory_space<hbm>>
        tpu.wait_dma2 semaphore(%run_scoped3A : memref<!tpu.dma_semaphore, #tpu.memory_space<semaphore_mem>>) src(%dma_wait3A_52 : memref<128xi32, #tpu.memory_space<hbm>>) dst(%arg9 : memref<128xi32, #tpu.memory_space<vmem>>)
        tpu.yield
      }) : () -> ()
      "tpu.region"() ({
        %run_scoped3A = tpu.sem_alloc : memref<!tpu.dma_semaphore, #tpu.memory_space<semaphore_mem>>
        %dma_start3A_49 = tpu.memref_slice %arg4[%add3A_38] : memref<327680xi32, #tpu.memory_space<hbm>> -> memref<128xi32, #tpu.memory_space<hbm>>
        %dma_start3A_50 = tpu.memref_slice %arg4[%add3A_38] : memref<327680xi32, #tpu.memory_space<hbm>> -> memref<128xi32, #tpu.memory_space<hbm>>
        tpu.enqueue_dma source(%dma_start3A_50 : memref<128xi32, #tpu.memory_space<hbm>>) target(%arg10 : memref<128xi32, #tpu.memory_space<vmem>>) target_semaphore(%run_scoped3A : memref<!tpu.dma_semaphore, #tpu.memory_space<semaphore_mem>>)
        %dma_wait3A_51 = tpu.memref_slice %arg4[%add3A_38] : memref<327680xi32, #tpu.memory_space<hbm>> -> memref<128xi32, #tpu.memory_space<hbm>>
        %dma_wait3A_52 = tpu.memref_slice %arg4[%add3A_38] : memref<327680xi32, #tpu.memory_space<hbm>> -> memref<128xi32, #tpu.memory_space<hbm>>
        tpu.wait_dma2 semaphore(%run_scoped3A : memref<!tpu.dma_semaphore, #tpu.memory_space<semaphore_mem>>) src(%dma_wait3A_52 : memref<128xi32, #tpu.memory_space<hbm>>) dst(%arg10 : memref<128xi32, #tpu.memory_space<vmem>>)
        tpu.yield
      }) : () -> ()
      %dma_start3A_39 = arith.constant 0 : i32
      %dma_start3A_40 = arith.constant 0 : i32
      %dma_start3A_41 = tpu.memref_slice %arg2[%dma_start3A_39, %dma_start3A_40] : memref<10000x128xf32, #tpu.memory_space<hbm>> -> memref<10000x128xf32, #tpu.memory_space<hbm>>
      tpu.enqueue_indirect_dma source(%dma_start3A_41 : memref<10000x128xf32, #tpu.memory_space<hbm>>) target(%arg12 : memref<128x128xf32, #tpu.memory_space<vmem>>) offsets(%arg9 : memref<128xi32, #tpu.memory_space<vmem>>) semaphore(%arg14 : memref<!tpu.dma_semaphore, #tpu.memory_space<semaphore_mem>>)
      %dma_wait3A = arith.constant 0 : i32
      %dma_wait3A_42 = arith.constant 0 : i32
      %dma_wait3A_43 = tpu.memref_slice %arg2[%dma_wait3A, %dma_wait3A_42] : memref<10000x128xf32, #tpu.memory_space<hbm>> -> memref<10000x128xf32, #tpu.memory_space<hbm>>
      tpu.wait_indirect_dma semaphore(%arg13 : memref<!tpu.dma_semaphore, #tpu.memory_space<semaphore_mem>>) src(%dma_wait3A_43 : memref<10000x128xf32, #tpu.memory_space<hbm>>) dst(%arg11 : memref<128x128xf32, #tpu.memory_space<vmem>>)
      "tpu.region"() ({
        %run_scoped3A = tpu.sem_alloc : memref<!tpu.dma_semaphore, #tpu.memory_space<semaphore_mem>>
        %dma_start3A_49 = arith.constant 0 : i32
        %dma_start3A_50 = arith.constant 0 : i32
        %dma_start3A_51 = tpu.memref_slice %arg6[%dma_start3A_49, %dma_start3A_50] : memref<10240x128xf32, #tpu.memory_space<vmem_shared>> -> memref<10240x128xf32, #tpu.memory_space<vmem_shared>>
        tpu.enqueue_indirect_dma source(%arg11 : memref<128x128xf32, #tpu.memory_space<vmem>>) target(%dma_start3A_51 : memref<10240x128xf32, #tpu.memory_space<vmem_shared>>) offsets(%arg8 : memref<128xi32, #tpu.memory_space<vmem>>) semaphore(%run_scoped3A : memref<!tpu.dma_semaphore, #tpu.memory_space<semaphore_mem>>) {add = true}
        %dma_wait3A_52 = arith.constant 0 : i32
        %dma_wait3A_53 = arith.constant 0 : i32
        %dma_wait3A_54 = tpu.memref_slice %arg6[%dma_wait3A_52, %dma_wait3A_53] : memref<10240x128xf32, #tpu.memory_space<vmem_shared>> -> memref<10240x128xf32, #tpu.memory_space<vmem_shared>>
        tpu.wait_indirect_dma semaphore(%run_scoped3A : memref<!tpu.dma_semaphore, #tpu.memory_space<semaphore_mem>>) src(%arg11 : memref<128x128xf32, #tpu.memory_space<vmem>>) dst(%dma_wait3A_54 : memref<10240x128xf32, #tpu.memory_space<vmem_shared>>)
        tpu.yield
      }) : () -> ()
      %lt3A = arith.constant 39 : i32
      %lt3A_44 = arith.cmpi slt, %add3A_31, %lt3A : i32
      %convert_element_type3A = arith.extui %lt3A_44 : i1 to i32
      %cond3A = arith.constant 0 : i32
      %cond3A_45 = arith.cmpi ne, %convert_element_type3A, %cond3A : i32
      scf.if %cond3A_45 {
        %add3A_49 = arith.constant 2 : i32
        %add3A_50 = arith.addi %mul3A_33, %add3A_49 : i32
        %mul3A_51 = arith.constant 128 : i32
        %mul3A_52 = arith.muli %add3A_50, %mul3A_51 : i32
        %add3A_53 = arith.addi %mul3A_11, %mul3A_52 : i32
        "tpu.region"() ({
          %run_scoped3A = tpu.sem_alloc : memref<!tpu.dma_semaphore, #tpu.memory_space<semaphore_mem>>
          %dma_start3A_57 = tpu.memref_slice %arg3[%add3A_53] : memref<327680xi32, #tpu.memory_space<hbm>> -> memref<128xi32, #tpu.memory_space<hbm>>
          %dma_start3A_58 = tpu.memref_slice %arg3[%add3A_53] : memref<327680xi32, #tpu.memory_space<hbm>> -> memref<128xi32, #tpu.memory_space<hbm>>
          tpu.enqueue_dma source(%dma_start3A_58 : memref<128xi32, #tpu.memory_space<hbm>>) target(%arg7 : memref<128xi32, #tpu.memory_space<vmem>>) target_semaphore(%run_scoped3A : memref<!tpu.dma_semaphore, #tpu.memory_space<semaphore_mem>>)
          %dma_wait3A_59 = tpu.memref_slice %arg3[%add3A_53] : memref<327680xi32, #tpu.memory_space<hbm>> -> memref<128xi32, #tpu.memory_space<hbm>>
          %dma_wait3A_60 = tpu.memref_slice %arg3[%add3A_53] : memref<327680xi32, #tpu.memory_space<hbm>> -> memref<128xi32, #tpu.memory_space<hbm>>
          tpu.wait_dma2 semaphore(%run_scoped3A : memref<!tpu.dma_semaphore, #tpu.memory_space<semaphore_mem>>) src(%dma_wait3A_60 : memref<128xi32, #tpu.memory_space<hbm>>) dst(%arg7 : memref<128xi32, #tpu.memory_space<vmem>>)
          tpu.yield
        }) : () -> ()
        "tpu.region"() ({
          %run_scoped3A = tpu.sem_alloc : memref<!tpu.dma_semaphore, #tpu.memory_space<semaphore_mem>>
          %dma_start3A_57 = tpu.memref_slice %arg4[%add3A_53] : memref<327680xi32, #tpu.memory_space<hbm>> -> memref<128xi32, #tpu.memory_space<hbm>>
          %dma_start3A_58 = tpu.memref_slice %arg4[%add3A_53] : memref<327680xi32, #tpu.memory_space<hbm>> -> memref<128xi32, #tpu.memory_space<hbm>>
          tpu.enqueue_dma source(%dma_start3A_58 : memref<128xi32, #tpu.memory_space<hbm>>) target(%arg8 : memref<128xi32, #tpu.memory_space<vmem>>) target_semaphore(%run_scoped3A : memref<!tpu.dma_semaphore, #tpu.memory_space<semaphore_mem>>)
          %dma_wait3A_59 = tpu.memref_slice %arg4[%add3A_53] : memref<327680xi32, #tpu.memory_space<hbm>> -> memref<128xi32, #tpu.memory_space<hbm>>
          %dma_wait3A_60 = tpu.memref_slice %arg4[%add3A_53] : memref<327680xi32, #tpu.memory_space<hbm>> -> memref<128xi32, #tpu.memory_space<hbm>>
          tpu.wait_dma2 semaphore(%run_scoped3A : memref<!tpu.dma_semaphore, #tpu.memory_space<semaphore_mem>>) src(%dma_wait3A_60 : memref<128xi32, #tpu.memory_space<hbm>>) dst(%arg8 : memref<128xi32, #tpu.memory_space<vmem>>)
          tpu.yield
        }) : () -> ()
        %dma_start3A_54 = arith.constant 0 : i32
        %dma_start3A_55 = arith.constant 0 : i32
        %dma_start3A_56 = tpu.memref_slice %arg2[%dma_start3A_54, %dma_start3A_55] : memref<10000x128xf32, #tpu.memory_space<hbm>> -> memref<10000x128xf32, #tpu.memory_space<hbm>>
        tpu.enqueue_indirect_dma source(%dma_start3A_56 : memref<10000x128xf32, #tpu.memory_space<hbm>>) target(%arg11 : memref<128x128xf32, #tpu.memory_space<vmem>>) offsets(%arg7 : memref<128xi32, #tpu.memory_space<vmem>>) semaphore(%arg13 : memref<!tpu.dma_semaphore, #tpu.memory_space<semaphore_mem>>)
      } else {
      }
      %dma_wait3A_46 = arith.constant 0 : i32
      %dma_wait3A_47 = arith.constant 0 : i32
      %dma_wait3A_48 = tpu.memref_slice %arg2[%dma_wait3A_46, %dma_wait3A_47] : memref<10000x128xf32, #tpu.memory_space<hbm>> -> memref<10000x128xf32, #tpu.memory_space<hbm>>
      tpu.wait_indirect_dma semaphore(%arg14 : memref<!tpu.dma_semaphore, #tpu.memory_space<semaphore_mem>>) src(%dma_wait3A_48 : memref<10000x128xf32, #tpu.memory_space<hbm>>) dst(%arg12 : memref<128x128xf32, #tpu.memory_space<vmem>>)
      "tpu.region"() ({
        %run_scoped3A = tpu.sem_alloc : memref<!tpu.dma_semaphore, #tpu.memory_space<semaphore_mem>>
        %dma_start3A_49 = arith.constant 0 : i32
        %dma_start3A_50 = arith.constant 0 : i32
        %dma_start3A_51 = tpu.memref_slice %arg6[%dma_start3A_49, %dma_start3A_50] : memref<10240x128xf32, #tpu.memory_space<vmem_shared>> -> memref<10240x128xf32, #tpu.memory_space<vmem_shared>>
        tpu.enqueue_indirect_dma source(%arg12 : memref<128x128xf32, #tpu.memory_space<vmem>>) target(%dma_start3A_51 : memref<10240x128xf32, #tpu.memory_space<vmem_shared>>) offsets(%arg10 : memref<128xi32, #tpu.memory_space<vmem>>) semaphore(%run_scoped3A : memref<!tpu.dma_semaphore, #tpu.memory_space<semaphore_mem>>) {add = true}
        %dma_wait3A_52 = arith.constant 0 : i32
        %dma_wait3A_53 = arith.constant 0 : i32
        %dma_wait3A_54 = tpu.memref_slice %arg6[%dma_wait3A_52, %dma_wait3A_53] : memref<10240x128xf32, #tpu.memory_space<vmem_shared>> -> memref<10240x128xf32, #tpu.memory_space<vmem_shared>>
        tpu.wait_indirect_dma semaphore(%run_scoped3A : memref<!tpu.dma_semaphore, #tpu.memory_space<semaphore_mem>>) src(%arg12 : memref<128x128xf32, #tpu.memory_space<vmem>>) dst(%dma_wait3A_54 : memref<10240x128xf32, #tpu.memory_space<vmem_shared>>)
        tpu.yield
      }) : () -> ()
    }
    %scan3A_20 = arith.constant 40 : i32
    %barrier3A_21 = arith.constant 0 : index
    tpu.barrier barrier_id(%barrier3A_21)
    %scan3A_22 = arith.constant 0 : i32
    %scan3A_23 = arith.constant 5 : i32
    %scan3A_24 = arith.addi %scan3A_22, %scan3A_23 : i32
    %scan3A_25 = arith.constant 1 : i32
    scf.for %scan3A_27 = %scan3A_22 to %scan3A_24 step %scan3A_25  : i32 {
      %mul3A_28 = arith.constant 1 : i32
      %mul3A_29 = arith.muli %scan3A_27, %mul3A_28 : i32
      %add3A_30 = arith.constant 0 : i32
      %add3A_31 = arith.addi %add3A_30, %mul3A_29 : i32
      %mul3A_32 = arith.constant 640 : i32
      %mul3A_33 = arith.muli %arg1, %mul3A_32 : i32
      %mul3A_34 = arith.constant 128 : i32
      %mul3A_35 = arith.muli %add3A_31, %mul3A_34 : i32
      %add3A_36 = arith.addi %mul3A_33, %mul3A_35 : i32
      "tpu.region"() ({
        %run_scoped3A = tpu.sem_alloc : memref<!tpu.dma_semaphore, #tpu.memory_space<semaphore_mem>>
        %dma_start3A_40 = arith.constant 0 : i32
        %dma_start3A_41 = tpu.memref_slice %arg6[%add3A_36, %dma_start3A_40] : memref<10240x128xf32, #tpu.memory_space<vmem_shared>> -> memref<128x128xf32, #tpu.memory_space<vmem_shared>>
        %dma_start3A_42 = arith.constant 0 : i32
        %dma_start3A_43 = tpu.memref_slice %arg6[%add3A_36, %dma_start3A_42] : memref<10240x128xf32, #tpu.memory_space<vmem_shared>> -> memref<128x128xf32, #tpu.memory_space<vmem_shared>>
        tpu.enqueue_dma source(%dma_start3A_43 : memref<128x128xf32, #tpu.memory_space<vmem_shared>>) target(%arg11 : memref<128x128xf32, #tpu.memory_space<vmem>>) target_semaphore(%run_scoped3A : memref<!tpu.dma_semaphore, #tpu.memory_space<semaphore_mem>>)
        %dma_wait3A = arith.constant 0 : i32
        %dma_wait3A_44 = tpu.memref_slice %arg6[%add3A_36, %dma_wait3A] : memref<10240x128xf32, #tpu.memory_space<vmem_shared>> -> memref<128x128xf32, #tpu.memory_space<vmem_shared>>
        %dma_wait3A_45 = arith.constant 0 : i32
        %dma_wait3A_46 = tpu.memref_slice %arg6[%add3A_36, %dma_wait3A_45] : memref<10240x128xf32, #tpu.memory_space<vmem_shared>> -> memref<128x128xf32, #tpu.memory_space<vmem_shared>>
        tpu.wait_dma2 semaphore(%run_scoped3A : memref<!tpu.dma_semaphore, #tpu.memory_space<semaphore_mem>>) src(%dma_wait3A_46 : memref<128x128xf32, #tpu.memory_space<vmem_shared>>) dst(%arg11 : memref<128x128xf32, #tpu.memory_space<vmem>>)
        tpu.yield
      }) : () -> ()
      %mul3A_37 = arith.constant 10240 : i32
      %mul3A_38 = arith.muli %arg0, %mul3A_37 : i32
      %add3A_39 = arith.addi %mul3A_38, %add3A_36 : i32
      "tpu.region"() ({
        %run_scoped3A = tpu.sem_alloc : memref<!tpu.dma_semaphore, #tpu.memory_space<semaphore_mem>>
        %dma_start3A_40 = arith.constant 0 : i32
        %dma_start3A_41 = tpu.memref_slice %arg5[%add3A_39, %dma_start3A_40] : memref<20480x128xf32, #tpu.memory_space<hbm>> -> memref<128x128xf32, #tpu.memory_space<hbm>>
        %dma_start3A_42 = arith.constant 0 : i32
        %dma_start3A_43 = tpu.memref_slice %arg5[%add3A_39, %dma_start3A_42] : memref<20480x128xf32, #tpu.memory_space<hbm>> -> memref<128x128xf32, #tpu.memory_space<hbm>>
        tpu.enqueue_dma source(%arg11 : memref<128x128xf32, #tpu.memory_space<vmem>>) target(%dma_start3A_43 : memref<128x128xf32, #tpu.memory_space<hbm>>) target_semaphore(%run_scoped3A : memref<!tpu.dma_semaphore, #tpu.memory_space<semaphore_mem>>)
        %dma_wait3A = arith.constant 0 : i32
        %dma_wait3A_44 = tpu.memref_slice %arg5[%add3A_39, %dma_wait3A] : memref<20480x128xf32, #tpu.memory_space<hbm>> -> memref<128x128xf32, #tpu.memory_space<hbm>>
        %dma_wait3A_45 = arith.constant 0 : i32
        %dma_wait3A_46 = tpu.memref_slice %arg5[%add3A_39, %dma_wait3A_45] : memref<20480x128xf32, #tpu.memory_space<hbm>> -> memref<128x128xf32, #tpu.memory_space<hbm>>
        tpu.wait_dma2 semaphore(%run_scoped3A : memref<!tpu.dma_semaphore, #tpu.memory_space<semaphore_mem>>) src(%arg11 : memref<128x128xf32, #tpu.memory_space<vmem>>) dst(%dma_wait3A_46 : memref<128x128xf32, #tpu.memory_space<hbm>>)
        tpu.yield
      }) : () -> ()
    }
    %scan3A_26 = arith.constant 5 : i32
    return
  }
}

#map = affine_map<(d0, d1) -> (0, 0)>
#map1 = affine_map<(d0, d1) -> (0)>
module attributes {stable_mosaic.version = 14 : i64} {
  func.func @body(%arg0: i32, %arg1: i32, %arg2: memref<10000x128xf32, #tpu.memory_space<hbm>>, %arg3: memref<327680xi32, #tpu.memory_space<hbm>>, %arg4: memref<327680xi32, #tpu.memory_space<hbm>>, %arg5: memref<20480x128xf32, #tpu.memory_space<hbm>>, %arg6: memref<10240x128xf32, #tpu.memory_space<vmem_shared>>, %arg7: memref<128xi32, #tpu.memory_space<vmem>>, %arg8: memref<128xi32, #tpu.memory_space<vmem>>, %arg9: memref<128xi32, #tpu.memory_space<vmem>>, %arg10: memref<128xi32, #tpu.memory_space<vmem>>, %arg11: memref<128x128xf32, #tpu.memory_space<vmem>>, %arg12: memref<128x128xf32, #tpu.memory_space<vmem>>, %arg13: memref<!tpu.dma_semaphore, #tpu.memory_space<semaphore_mem>>, %arg14: memref<!tpu.dma_semaphore, #tpu.memory_space<semaphore_mem>>) attributes {dimension_semantics = [#tpu.dimension_semantics<core_parallel>, #tpu.dimension_semantics<subcore_parallel>], iteration_bounds = array<i64: 2, 16>, scalar_prefetch = 0 : i64, scratch_operands = 9 : i64, tpu.core_type = #tpu.core_type<sc_vector_subcore>, window_params = [{transform_indices = #map}, {transform_indices = #map1}, {transform_indices = #map1}, {transform_indices = #map}]} {
    %mul3A = arith.constant 2 : i32
    %mul3A_0 = arith.muli %arg1, %mul3A : i32
    %add3A = arith.addi %mul3A_0, %arg0 : i32
    %scan3A = arith.constant 0 : i32
    %scan3A_1 = arith.constant 128 : i32
    %scan3A_2 = arith.addi %scan3A, %scan3A_1 : i32
    %scan3A_3 = arith.constant 1 : i32
    scf.for %scan3A_27 = %scan3A to %scan3A_2 step %scan3A_3  : i32 {
      %mul3A_28 = arith.constant 1 : i32
      %mul3A_29 = arith.muli %scan3A_27, %mul3A_28 : i32
      %add3A_30 = arith.constant 0 : i32
      %add3A_31 = arith.addi %add3A_30, %mul3A_29 : i32
      %scan3A_32 = arith.constant 0 : i32
      %scan3A_33 = arith.constant 8 : i32
      %scan3A_34 = arith.addi %scan3A_32, %scan3A_33 : i32
      %scan3A_35 = arith.constant 1 : i32
      scf.for %scan3A_37 = %scan3A_32 to %scan3A_34 step %scan3A_35  : i32 {
        %mul3A_38 = arith.constant 1 : i32
        %mul3A_39 = arith.muli %scan3A_37, %mul3A_38 : i32
        %add3A_40 = arith.constant 0 : i32
        %add3A_41 = arith.addi %add3A_40, %mul3A_39 : i32
        %broadcast_in_dim3A = arith.constant 0.000000e+00 : f32
        %broadcast_in_dim3A_42 = vector.broadcast %broadcast_in_dim3A : f32 to vector<16xf32>
        %mul3A_43 = arith.constant 16 : i32
        %mul3A_44 = arith.muli %add3A_41, %mul3A_43 : i32
        %swap3A = arith.index_cast %add3A_31 : i32 to index
        %swap3A_45 = arith.index_cast %mul3A_44 : i32 to index
        %swap3A_46 = tpu.vector_load %arg11[%swap3A, %swap3A_45] {strides = array<i32>} : memref<128x128xf32, #tpu.memory_space<vmem>>, vector<1x16xf32>,
        %swap3A_47 = vector.shape_cast %swap3A_46 : vector<1x16xf32> to vector<16xf32>
        %swap3A_48 = vector.shape_cast %broadcast_in_dim3A_42 : vector<16xf32> to vector<1x16xf32>
        tpu.vector_store %arg11[%swap3A, %swap3A_45], %swap3A_48 {strides = array<i32>} : memref<128x128xf32, #tpu.memory_space<vmem>>, vector<1x16xf32>,
      }
      %scan3A_36 = arith.constant 8 : i32
    }
    %scan3A_4 = arith.constant 128 : i32
    %scan3A_5 = arith.constant 0 : i32
    %scan3A_6 = arith.constant 5 : i32
    %scan3A_7 = arith.addi %scan3A_5, %scan3A_6 : i32
    %scan3A_8 = arith.constant 1 : i32
    scf.for %scan3A_27 = %scan3A_5 to %scan3A_7 step %scan3A_8  : i32 {
      %mul3A_28 = arith.constant 1 : i32
      %mul3A_29 = arith.muli %scan3A_27, %mul3A_28 : i32
      %add3A_30 = arith.constant 0 : i32
      %add3A_31 = arith.addi %add3A_30, %mul3A_29 : i32
      %mul3A_32 = arith.constant 640 : i32
      %mul3A_33 = arith.muli %arg1, %mul3A_32 : i32
      %mul3A_34 = arith.constant 128 : i32
      %mul3A_35 = arith.muli %add3A_31, %mul3A_34 : i32
      %add3A_36 = arith.addi %mul3A_33, %mul3A_35 : i32
      "tpu.region"() ({
        %run_scoped3A = tpu.sem_alloc : memref<!tpu.dma_semaphore, #tpu.memory_space<semaphore_mem>>
        %dma_start3A_37 = arith.constant 0 : i32
        %dma_start3A_38 = tpu.memref_slice %arg6[%add3A_36, %dma_start3A_37] : memref<10240x128xf32, #tpu.memory_space<vmem_shared>> -> memref<128x128xf32, #tpu.memory_space<vmem_shared>>
        %dma_start3A_39 = arith.constant 0 : i32
        %dma_start3A_40 = tpu.memref_slice %arg6[%add3A_36, %dma_start3A_39] : memref<10240x128xf32, #tpu.memory_space<vmem_shared>> -> memref<128x128xf32, #tpu.memory_space<vmem_shared>>
        tpu.enqueue_dma source(%arg11 : memref<128x128xf32, #tpu.memory_space<vmem>>) target(%dma_start3A_40 : memref<128x128xf32, #tpu.memory_space<vmem_shared>>) target_semaphore(%run_scoped3A : memref<!tpu.dma_semaphore, #tpu.memory_space<semaphore_mem>>)
        %dma_wait3A = arith.constant 0 : i32
        %dma_wait3A_41 = tpu.memref_slice %arg6[%add3A_36, %dma_wait3A] : memref<10240x128xf32, #tpu.memory_space<vmem_shared>> -> memref<128x128xf32, #tpu.memory_space<vmem_shared>>
        %dma_wait3A_42 = arith.constant 0 : i32
        %dma_wait3A_43 = tpu.memref_slice %arg6[%add3A_36, %dma_wait3A_42] : memref<10240x128xf32, #tpu.memory_space<vmem_shared>> -> memref<128x128xf32, #tpu.memory_space<vmem_shared>>
        tpu.wait_dma2 semaphore(%run_scoped3A : memref<!tpu.dma_semaphore, #tpu.memory_space<semaphore_mem>>) src(%arg11 : memref<128x128xf32, #tpu.memory_space<vmem>>) dst(%dma_wait3A_43 : memref<128x128xf32, #tpu.memory_space<vmem_shared>>)
        tpu.yield
      }) : () -> ()
    }
    %scan3A_9 = arith.constant 5 : i32
    %barrier3A = arith.constant 0 : index
    tpu.barrier barrier_id(%barrier3A)
    %mul3A_10 = arith.constant 10240 : i32
    %mul3A_11 = arith.muli %add3A, %mul3A_10 : i32
    %add3A_12 = arith.constant 0 : i32
    %add3A_13 = arith.addi %mul3A_11, %add3A_12 : i32
    "tpu.region"() ({
      %run_scoped3A = tpu.sem_alloc : memref<!tpu.dma_semaphore, #tpu.memory_space<semaphore_mem>>
      %dma_start3A_27 = tpu.memref_slice %arg3[%add3A_13] : memref<327680xi32, #tpu.memory_space<hbm>> -> memref<128xi32, #tpu.memory_space<hbm>>
      %dma_start3A_28 = tpu.memref_slice %arg3[%add3A_13] : memref<327680xi32, #tpu.memory_space<hbm>> -> memref<128xi32, #tpu.memory_space<hbm>>
      tpu.enqueue_dma source(%dma_start3A_28 : memref<128xi32, #tpu.memory_space<hbm>>) target(%arg7 : memref<128xi32, #tpu.memory_space<vmem>>) target_semaphore(%run_scoped3A : memref<!tpu.dma_semaphore, #tpu.memory_space<semaphore_mem>>)
      %dma_wait3A = tpu.memref_slice %arg3[%add3A_13] : memref<327680xi32, #tpu.memory_space<hbm>> -> memref<128xi32, #tpu.memory_space<hbm>>
      %dma_wait3A_29 = tpu.memref_slice %arg3[%add3A_13] : memref<327680xi32, #tpu.memory_space<hbm>> -> memref<128xi32, #tpu.memory_space<hbm>>
      tpu.wait_dma2 semaphore(%run_scoped3A : memref<!tpu.dma_semaphore, #tpu.memory_space<semaphore_mem>>) src(%dma_wait3A_29 : memref<128xi32, #tpu.memory_space<hbm>>) dst(%arg7 : memref<128xi32, #tpu.memory_space<vmem>>)
      tpu.yield
    }) : () -> ()
    "tpu.region"() ({
      %run_scoped3A = tpu.sem_alloc : memref<!tpu.dma_semaphore, #tpu.memory_space<semaphore_mem>>
      %dma_start3A_27 = tpu.memref_slice %arg4[%add3A_13] : memref<327680xi32, #tpu.memory_space<hbm>> -> memref<128xi32, #tpu.memory_space<hbm>>
      %dma_start3A_28 = tpu.memref_slice %arg4[%add3A_13] : memref<327680xi32, #tpu.memory_space<hbm>> -> memref<128xi32, #tpu.memory_space<hbm>>
      tpu.enqueue_dma source(%dma_start3A_28 : memref<128xi32, #tpu.memory_space<hbm>>) target(%arg8 : memref<128xi32, #tpu.memory_space<vmem>>) target_semaphore(%run_scoped3A : memref<!tpu.dma_semaphore, #tpu.memory_space<semaphore_mem>>)
      %dma_wait3A = tpu.memref_slice %arg4[%add3A_13] : memref<327680xi32, #tpu.memory_space<hbm>> -> memref<128xi32, #tpu.memory_space<hbm>>
      %dma_wait3A_29 = tpu.memref_slice %arg4[%add3A_13] : memref<327680xi32, #tpu.memory_space<hbm>> -> memref<128xi32, #tpu.memory_space<hbm>>
      tpu.wait_dma2 semaphore(%run_scoped3A : memref<!tpu.dma_semaphore, #tpu.memory_space<semaphore_mem>>) src(%dma_wait3A_29 : memref<128xi32, #tpu.memory_space<hbm>>) dst(%arg8 : memref<128xi32, #tpu.memory_space<vmem>>)
      tpu.yield
    }) : () -> ()
    %dma_start3A = arith.constant 0 : i32
    %dma_start3A_14 = arith.constant 0 : i32
    %dma_start3A_15 = tpu.memref_slice %arg2[%dma_start3A, %dma_start3A_14] : memref<10000x128xf32, #tpu.memory_space<hbm>> -> memref<10000x128xf32, #tpu.memory_space<hbm>>
    tpu.enqueue_indirect_dma source(%dma_start3A_15 : memref<10000x128xf32, #tpu.memory_space<hbm>>) target(%arg11 : memref<128x128xf32, #tpu.memory_space<vmem>>) offsets(%arg7 : memref<128xi32, #tpu.memory_space<vmem>>) semaphore(%arg13 : memref<!tpu.dma_semaphore, #tpu.memory_space<semaphore_mem>>)
    %scan3A_16 = arith.constant 0 : i32
    %scan3A_17 = arith.constant 40 : i32
    %scan3A_18 = arith.addi %scan3A_16, %scan3A_17 : i32
    %scan3A_19 = arith.constant 1 : i32
    scf.for %scan3A_27 = %scan3A_16 to %scan3A_18 step %scan3A_19  : i32 {
      %mul3A_28 = arith.constant 1 : i32
      %mul3A_29 = arith.muli %scan3A_27, %mul3A_28 : i32
      %add3A_30 = arith.constant 0 : i32
      %add3A_31 = arith.addi %add3A_30, %mul3A_29 : i32
      %mul3A_32 = arith.constant 2 : i32
      %mul3A_33 = arith.muli %mul3A_32, %add3A_31 : i32
      %add3A_34 = arith.constant 1 : i32
      %add3A_35 = arith.addi %mul3A_33, %add3A_34 : i32
      %mul3A_36 = arith.constant 128 : i32
      %mul3A_37 = arith.muli %add3A_35, %mul3A_36 : i32
      %add3A_38 = arith.addi %mul3A_11, %mul3A_37 : i32
      "tpu.region"() ({
        %run_scoped3A = tpu.sem_alloc : memref<!tpu.dma_semaphore, #tpu.memory_space<semaphore_mem>>
        %dma_start3A_49 = tpu.memref_slice %arg3[%add3A_38] : memref<327680xi32, #tpu.memory_space<hbm>> -> memref<128xi32, #tpu.memory_space<hbm>>
        %dma_start3A_50 = tpu.memref_slice %arg3[%add3A_38] : memref<327680xi32, #tpu.memory_space<hbm>> -> memref<128xi32, #tpu.memory_space<hbm>>
        tpu.enqueue_dma source(%dma_start3A_50 : memref<128xi32, #tpu.memory_space<hbm>>) target(%arg9 : memref<128xi32, #tpu.memory_space<vmem>>) target_semaphore(%run_scoped3A : memref<!tpu.dma_semaphore, #tpu.memory_space<semaphore_mem>>)
        %dma_wait3A_51 = tpu.memref_slice %arg3[%add3A_38] : memref<327680xi32, #tpu.memory_space<hbm>> -> memref<128xi32, #tpu.memory_space<hbm>>
        %dma_wait3A_52 = tpu.memref_slice %arg3[%add3A_38] : memref<327680xi32, #tpu.memory_space<hbm>> -> memref<128xi32, #tpu.memory_space<hbm>>
        tpu.wait_dma2 semaphore(%run_scoped3A : memref<!tpu.dma_semaphore, #tpu.memory_space<semaphore_mem>>) src(%dma_wait3A_52 : memref<128xi32, #tpu.memory_space<hbm>>) dst(%arg9 : memref<128xi32, #tpu.memory_space<vmem>>)
        tpu.yield
      }) : () -> ()
      "tpu.region"() ({
        %run_scoped3A = tpu.sem_alloc : memref<!tpu.dma_semaphore, #tpu.memory_space<semaphore_mem>>
        %dma_start3A_49 = tpu.memref_slice %arg4[%add3A_38] : memref<327680xi32, #tpu.memory_space<hbm>> -> memref<128xi32, #tpu.memory_space<hbm>>
        %dma_start3A_50 = tpu.memref_slice %arg4[%add3A_38] : memref<327680xi32, #tpu.memory_space<hbm>> -> memref<128xi32, #tpu.memory_space<hbm>>
        tpu.enqueue_dma source(%dma_start3A_50 : memref<128xi32, #tpu.memory_space<hbm>>) target(%arg10 : memref<128xi32, #tpu.memory_space<vmem>>) target_semaphore(%run_scoped3A : memref<!tpu.dma_semaphore, #tpu.memory_space<semaphore_mem>>)
        %dma_wait3A_51 = tpu.memref_slice %arg4[%add3A_38] : memref<327680xi32, #tpu.memory_space<hbm>> -> memref<128xi32, #tpu.memory_space<hbm>>
        %dma_wait3A_52 = tpu.memref_slice %arg4[%add3A_38] : memref<327680xi32, #tpu.memory_space<hbm>> -> memref<128xi32, #tpu.memory_space<hbm>>
        tpu.wait_dma2 semaphore(%run_scoped3A : memref<!tpu.dma_semaphore, #tpu.memory_space<semaphore_mem>>) src(%dma_wait3A_52 : memref<128xi32, #tpu.memory_space<hbm>>) dst(%arg10 : memref<128xi32, #tpu.memory_space<vmem>>)
        tpu.yield
      }) : () -> ()
      %dma_start3A_39 = arith.constant 0 : i32
      %dma_start3A_40 = arith.constant 0 : i32
      %dma_start3A_41 = tpu.memref_slice %arg2[%dma_start3A_39, %dma_start3A_40] : memref<10000x128xf32, #tpu.memory_space<hbm>> -> memref<10000x128xf32, #tpu.memory_space<hbm>>
      tpu.enqueue_indirect_dma source(%dma_start3A_41 : memref<10000x128xf32, #tpu.memory_space<hbm>>) target(%arg12 : memref<128x128xf32, #tpu.memory_space<vmem>>) offsets(%arg9 : memref<128xi32, #tpu.memory_space<vmem>>) semaphore(%arg14 : memref<!tpu.dma_semaphore, #tpu.memory_space<semaphore_mem>>)
      %dma_wait3A = arith.constant 0 : i32
      %dma_wait3A_42 = arith.constant 0 : i32
      %dma_wait3A_43 = tpu.memref_slice %arg2[%dma_wait3A, %dma_wait3A_42] : memref<10000x128xf32, #tpu.memory_space<hbm>> -> memref<10000x128xf32, #tpu.memory_space<hbm>>
      tpu.wait_indirect_dma semaphore(%arg13 : memref<!tpu.dma_semaphore, #tpu.memory_space<semaphore_mem>>) src(%dma_wait3A_43 : memref<10000x128xf32, #tpu.memory_space<hbm>>) dst(%arg11 : memref<128x128xf32, #tpu.memory_space<vmem>>)
      "tpu.region"() ({
        %run_scoped3A = tpu.sem_alloc : memref<!tpu.dma_semaphore, #tpu.memory_space<semaphore_mem>>
        %dma_start3A_49 = arith.constant 0 : i32
        %dma_start3A_50 = arith.constant 0 : i32
        %dma_start3A_51 = tpu.memref_slice %arg6[%dma_start3A_49, %dma_start3A_50] : memref<10240x128xf32, #tpu.memory_space<vmem_shared>> -> memref<10240x128xf32, #tpu.memory_space<vmem_shared>>
        tpu.enqueue_indirect_dma source(%arg11 : memref<128x128xf32, #tpu.memory_space<vmem>>) target(%dma_start3A_51 : memref<10240x128xf32, #tpu.memory_space<vmem_shared>>) offsets(%arg8 : memref<128xi32, #tpu.memory_space<vmem>>) semaphore(%run_scoped3A : memref<!tpu.dma_semaphore, #tpu.memory_space<semaphore_mem>>) {add = true}
        %dma_wait3A_52 = arith.constant 0 : i32
        %dma_wait3A_53 = arith.constant 0 : i32
        %dma_wait3A_54 = tpu.memref_slice %arg6[%dma_wait3A_52, %dma_wait3A_53] : memref<10240x128xf32, #tpu.memory_space<vmem_shared>> -> memref<10240x128xf32, #tpu.memory_space<vmem_shared>>
        tpu.wait_indirect_dma semaphore(%run_scoped3A : memref<!tpu.dma_semaphore, #tpu.memory_space<semaphore_mem>>) src(%arg11 : memref<128x128xf32, #tpu.memory_space<vmem>>) dst(%dma_wait3A_54 : memref<10240x128xf32, #tpu.memory_space<vmem_shared>>)
        tpu.yield
      }) : () -> ()
      %lt3A = arith.constant 39 : i32
      %lt3A_44 = arith.cmpi slt, %add3A_31, %lt3A : i32
      %convert_element_type3A = arith.extui %lt3A_44 : i1 to i32
      %cond3A = arith.constant 0 : i32
      %cond3A_45 = arith.cmpi ne, %convert_element_type3A, %cond3A : i32
      scf.if %cond3A_45 {
        %add3A_49 = arith.constant 2 : i32
        %add3A_50 = arith.addi %mul3A_33, %add3A_49 : i32
        %mul3A_51 = arith.constant 128 : i32
        %mul3A_52 = arith.muli %add3A_50, %mul3A_51 : i32
        %add3A_53 = arith.addi %mul3A_11, %mul3A_52 : i32
        "tpu.region"() ({
          %run_scoped3A = tpu.sem_alloc : memref<!tpu.dma_semaphore, #tpu.memory_space<semaphore_mem>>
          %dma_start3A_57 = tpu.memref_slice %arg3[%add3A_53] : memref<327680xi32, #tpu.memory_space<hbm>> -> memref<128xi32, #tpu.memory_space<hbm>>
          %dma_start3A_58 = tpu.memref_slice %arg3[%add3A_53] : memref<327680xi32, #tpu.memory_space<hbm>> -> memref<128xi32, #tpu.memory_space<hbm>>
          tpu.enqueue_dma source(%dma_start3A_58 : memref<128xi32, #tpu.memory_space<hbm>>) target(%arg7 : memref<128xi32, #tpu.memory_space<vmem>>) target_semaphore(%run_scoped3A : memref<!tpu.dma_semaphore, #tpu.memory_space<semaphore_mem>>)
          %dma_wait3A_59 = tpu.memref_slice %arg3[%add3A_53] : memref<327680xi32, #tpu.memory_space<hbm>> -> memref<128xi32, #tpu.memory_space<hbm>>
          %dma_wait3A_60 = tpu.memref_slice %arg3[%add3A_53] : memref<327680xi32, #tpu.memory_space<hbm>> -> memref<128xi32, #tpu.memory_space<hbm>>
          tpu.wait_dma2 semaphore(%run_scoped3A : memref<!tpu.dma_semaphore, #tpu.memory_space<semaphore_mem>>) src(%dma_wait3A_60 : memref<128xi32, #tpu.memory_space<hbm>>) dst(%arg7 : memref<128xi32, #tpu.memory_space<vmem>>)
          tpu.yield
        }) : () -> ()
        "tpu.region"() ({
          %run_scoped3A = tpu.sem_alloc : memref<!tpu.dma_semaphore, #tpu.memory_space<semaphore_mem>>
          %dma_start3A_57 = tpu.memref_slice %arg4[%add3A_53] : memref<327680xi32, #tpu.memory_space<hbm>> -> memref<128xi32, #tpu.memory_space<hbm>>
          %dma_start3A_58 = tpu.memref_slice %arg4[%add3A_53] : memref<327680xi32, #tpu.memory_space<hbm>> -> memref<128xi32, #tpu.memory_space<hbm>>
          tpu.enqueue_dma source(%dma_start3A_58 : memref<128xi32, #tpu.memory_space<hbm>>) target(%arg8 : memref<128xi32, #tpu.memory_space<vmem>>) target_semaphore(%run_scoped3A : memref<!tpu.dma_semaphore, #tpu.memory_space<semaphore_mem>>)
          %dma_wait3A_59 = tpu.memref_slice %arg4[%add3A_53] : memref<327680xi32, #tpu.memory_space<hbm>> -> memref<128xi32, #tpu.memory_space<hbm>>
          %dma_wait3A_60 = tpu.memref_slice %arg4[%add3A_53] : memref<327680xi32, #tpu.memory_space<hbm>> -> memref<128xi32, #tpu.memory_space<hbm>>
          tpu.wait_dma2 semaphore(%run_scoped3A : memref<!tpu.dma_semaphore, #tpu.memory_space<semaphore_mem>>) src(%dma_wait3A_60 : memref<128xi32, #tpu.memory_space<hbm>>) dst(%arg8 : memref<128xi32, #tpu.memory_space<vmem>>)
          tpu.yield
        }) : () -> ()
        %dma_start3A_54 = arith.constant 0 : i32
        %dma_start3A_55 = arith.constant 0 : i32
        %dma_start3A_56 = tpu.memref_slice %arg2[%dma_start3A_54, %dma_start3A_55] : memref<10000x128xf32, #tpu.memory_space<hbm>> -> memref<10000x128xf32, #tpu.memory_space<hbm>>
        tpu.enqueue_indirect_dma source(%dma_start3A_56 : memref<10000x128xf32, #tpu.memory_space<hbm>>) target(%arg11 : memref<128x128xf32, #tpu.memory_space<vmem>>) offsets(%arg7 : memref<128xi32, #tpu.memory_space<vmem>>) semaphore(%arg13 : memref<!tpu.dma_semaphore, #tpu.memory_space<semaphore_mem>>)
      } else {
      }
      %dma_wait3A_46 = arith.constant 0 : i32
      %dma_wait3A_47 = arith.constant 0 : i32
      %dma_wait3A_48 = tpu.memref_slice %arg2[%dma_wait3A_46, %dma_wait3A_47] : memref<10000x128xf32, #tpu.memory_space<hbm>> -> memref<10000x128xf32, #tpu.memory_space<hbm>>
      tpu.wait_indirect_dma semaphore(%arg14 : memref<!tpu.dma_semaphore, #tpu.memory_space<semaphore_mem>>) src(%dma_wait3A_48 : memref<10000x128xf32, #tpu.memory_space<hbm>>) dst(%arg12 : memref<128x128xf32, #tpu.memory_space<vmem>>)
      "tpu.region"() ({
        %run_scoped3A = tpu.sem_alloc : memref<!tpu.dma_semaphore, #tpu.memory_space<semaphore_mem>>
        %dma_start3A_49 = arith.constant 0 : i32
        %dma_start3A_50 = arith.constant 0 : i32
        %dma_start3A_51 = tpu.memref_slice %arg6[%dma_start3A_49, %dma_start3A_50] : memref<10240x128xf32, #tpu.memory_space<vmem_shared>> -> memref<10240x128xf32, #tpu.memory_space<vmem_shared>>
        tpu.enqueue_indirect_dma source(%arg12 : memref<128x128xf32, #tpu.memory_space<vmem>>) target(%dma_start3A_51 : memref<10240x128xf32, #tpu.memory_space<vmem_shared>>) offsets(%arg10 : memref<128xi32, #tpu.memory_space<vmem>>) semaphore(%run_scoped3A : memref<!tpu.dma_semaphore, #tpu.memory_space<semaphore_mem>>) {add = true}
        %dma_wait3A_52 = arith.constant 0 : i32
        %dma_wait3A_53 = arith.constant 0 : i32
        %dma_wait3A_54 = tpu.memref_slice %arg6[%dma_wait3A_52, %dma_wait3A_53] : memref<10240x128xf32, #tpu.memory_space<vmem_shared>> -> memref<10240x128xf32, #tpu.memory_space<vmem_shared>>
        tpu.wait_indirect_dma semaphore(%run_scoped3A : memref<!tpu.dma_semaphore, #tpu.memory_space<semaphore_mem>>) src(%arg12 : memref<128x128xf32, #tpu.memory_space<vmem>>) dst(%dma_wait3A_54 : memref<10240x128xf32, #tpu.memory_space<vmem_shared>>)
        tpu.yield
      }) : () -> ()
    }
    %scan3A_20 = arith.constant 40 : i32
    %barrier3A_21 = arith.constant 0 : index
    tpu.barrier barrier_id(%barrier3A_21)
    %scan3A_22 = arith.constant 0 : i32
    %scan3A_23 = arith.constant 5 : i32
    %scan3A_24 = arith.addi %scan3A_22, %scan3A_23 : i32
    %scan3A_25 = arith.constant 1 : i32
    scf.for %scan3A_27 = %scan3A_22 to %scan3A_24 step %scan3A_25  : i32 {
      %mul3A_28 = arith.constant 1 : i32
      %mul3A_29 = arith.muli %scan3A_27, %mul3A_28 : i32
      %add3A_30 = arith.constant 0 : i32
      %add3A_31 = arith.addi %add3A_30, %mul3A_29 : i32
      %mul3A_32 = arith.constant 640 : i32
      %mul3A_33 = arith.muli %arg1, %mul3A_32 : i32
      %mul3A_34 = arith.constant 128 : i32
      %mul3A_35 = arith.muli %add3A_31, %mul3A_34 : i32
      %add3A_36 = arith.addi %mul3A_33, %mul3A_35 : i32
      "tpu.region"() ({
        %run_scoped3A = tpu.sem_alloc : memref<!tpu.dma_semaphore, #tpu.memory_space<semaphore_mem>>
        %dma_start3A_40 = arith.constant 0 : i32
        %dma_start3A_41 = tpu.memref_slice %arg6[%add3A_36, %dma_start3A_40] : memref<10240x128xf32, #tpu.memory_space<vmem_shared>> -> memref<128x128xf32, #tpu.memory_space<vmem_shared>>
        %dma_start3A_42 = arith.constant 0 : i32
        %dma_start3A_43 = tpu.memref_slice %arg6[%add3A_36, %dma_start3A_42] : memref<10240x128xf32, #tpu.memory_space<vmem_shared>> -> memref<128x128xf32, #tpu.memory_space<vmem_shared>>
        tpu.enqueue_dma source(%dma_start3A_43 : memref<128x128xf32, #tpu.memory_space<vmem_shared>>) target(%arg11 : memref<128x128xf32, #tpu.memory_space<vmem>>) target_semaphore(%run_scoped3A : memref<!tpu.dma_semaphore, #tpu.memory_space<semaphore_mem>>)
        %dma_wait3A = arith.constant 0 : i32
        %dma_wait3A_44 = tpu.memref_slice %arg6[%add3A_36, %dma_wait3A] : memref<10240x128xf32, #tpu.memory_space<vmem_shared>> -> memref<128x128xf32, #tpu.memory_space<vmem_shared>>
        %dma_wait3A_45 = arith.constant 0 : i32
        %dma_wait3A_46 = tpu.memref_slice %arg6[%add3A_36, %dma_wait3A_45] : memref<10240x128xf32, #tpu.memory_space<vmem_shared>> -> memref<128x128xf32, #tpu.memory_space<vmem_shared>>
        tpu.wait_dma2 semaphore(%run_scoped3A : memref<!tpu.dma_semaphore, #tpu.memory_space<semaphore_mem>>) src(%dma_wait3A_46 : memref<128x128xf32, #tpu.memory_space<vmem_shared>>) dst(%arg11 : memref<128x128xf32, #tpu.memory_space<vmem>>)
        tpu.yield
      }) : () -> ()
      %mul3A_37 = arith.constant 10240 : i32
      %mul3A_38 = arith.muli %arg0, %mul3A_37 : i32
      %add3A_39 = arith.addi %mul3A_38, %add3A_36 : i32
      "tpu.region"() ({
        %run_scoped3A = tpu.sem_alloc : memref<!tpu.dma_semaphore, #tpu.memory_space<semaphore_mem>>
        %dma_start3A_40 = arith.constant 0 : i32
        %dma_start3A_41 = tpu.memref_slice %arg5[%add3A_39, %dma_start3A_40] : memref<20480x128xf32, #tpu.memory_space<hbm>> -> memref<128x128xf32, #tpu.memory_space<hbm>>
        %dma_start3A_42 = arith.constant 0 : i32
        %dma_start3A_43 = tpu.memref_slice %arg5[%add3A_39, %dma_start3A_42] : memref<20480x128xf32, #tpu.memory_space<hbm>> -> memref<128x128xf32, #tpu.memory_space<hbm>>
        tpu.enqueue_dma source(%arg11 : memref<128x128xf32, #tpu.memory_space<vmem>>) target(%dma_start3A_43 : memref<128x128xf32, #tpu.memory_space<hbm>>) target_semaphore(%run_scoped3A : memref<!tpu.dma_semaphore, #tpu.memory_space<semaphore_mem>>)
        %dma_wait3A = arith.constant 0 : i32
        %dma_wait3A_44 = tpu.memref_slice %arg5[%add3A_39, %dma_wait3A] : memref<20480x128xf32, #tpu.memory_space<hbm>> -> memref<128x128xf32, #tpu.memory_space<hbm>>
        %dma_wait3A_45 = arith.constant 0 : i32
        %dma_wait3A_46 = tpu.memref_slice %arg5[%add3A_39, %dma_wait3A_45] : memref<20480x128xf32, #tpu.memory_space<hbm>> -> memref<128x128xf32, #tpu.memory_space<hbm>>
        tpu.wait_dma2 semaphore(%run_scoped3A : memref<!tpu.dma_semaphore, #tpu.memory_space<semaphore_mem>>) src(%arg11 : memref<128x128xf32, #tpu.memory_space<vmem>>) dst(%dma_wait3A_46 : memref<128x128xf32, #tpu.memory_space<hbm>>)
        tpu.yield
      }) : () -> ()
    }
    %scan3A_26 = arith.constant 5 : i32
    return
  }
}

module attributes {stable_mosaic.version = 14 : i64} {
  func.func @_mm2_body(%arg0: i32, %arg1: memref<1000x128xf32, #tpu.memory_space<vmem>>, %arg2: memref<128x128xf32, #tpu.memory_space<vmem>>, %arg3: memref<128x128xf32, #tpu.memory_space<vmem>>, %arg4: memref<1x128xf32, #tpu.memory_space<vmem>>, %arg5: memref<1000x128xf32, #tpu.memory_space<vmem>>, %arg6: memref<1000x128xf32, #tpu.memory_space<vmem>>) attributes {dimension_semantics = [#tpu.dimension_semantics<arbitrary>], iteration_bounds = array<i64: 10>, scalar_prefetch = 0 : i64, scratch_operands = 0 : i64, tpu.core_type = #tpu.core_type<tc>, window_params = [{transform_indices = @transform_0, window_bounds = array<i64: 1000, 128>}, {pipeline_mode = #tpu.pipeline_mode<synchronous>, transform_indices = @transform_1, window_bounds = array<i64: 128, 128>}, {pipeline_mode = #tpu.pipeline_mode<synchronous>, transform_indices = @transform_2, window_bounds = array<i64: 128, 128>}, {pipeline_mode = #tpu.pipeline_mode<synchronous>, transform_indices = @transform_3, window_bounds = array<i64: 1, 128>}, {transform_indices = @transform_4, window_bounds = array<i64: 1000, 128>}, {transform_indices = @transform_5, window_bounds = array<i64: 1000, 128>}]} {
    %get3A = arith.constant 0 : index
    %get3A_0 = arith.constant 0 : index
    %get3A_1 = vector.load %arg1[%get3A, %get3A_0] : memref<1000x128xf32, #tpu.memory_space<vmem>>, vector<1000x128xf32>
    %get3A_2 = arith.constant 0 : index
    %get3A_3 = arith.constant 0 : index
    %get3A_4 = vector.load %arg2[%get3A_2, %get3A_3] : memref<128x128xf32, #tpu.memory_space<vmem>>, vector<128x128xf32>
    %dot_general3A = arith.constant dense<0.000000e+00> : vector<1000x128xf32>
    %dot_general3A_5 = tpu.matmul %get3A_1, %get3A_4, %dot_general3A {dimension_numbers = #tpu.dot_dimension_numbers<[1], [0], [0], [1], [0, 0, 1, 1], [], []>, transpose_lhs_hint = false} : vector<1000x128xf32>, vector<128x128xf32>, vector<1000x128xf32> -> vector<1000x128xf32>
    %get3A_6 = arith.constant 0 : index
    %get3A_7 = arith.constant 0 : index
    %get3A_8 = vector.load %arg4[%get3A_6, %get3A_7] : memref<1x128xf32, #tpu.memory_space<vmem>>, vector<1x128xf32>
    %add3A = vector.broadcast %get3A_8 : vector<1x128xf32> to vector<1000x128xf32>
    %add3A_9 = arith.addf %dot_general3A_5, %add3A : vector<1000x128xf32>
    %swap3A = arith.constant 0 : index
    %swap3A_10 = arith.constant 0 : index
    %swap3A_11 = vector.load %arg5[%swap3A, %swap3A_10] : memref<1000x128xf32, #tpu.memory_space<vmem>>, vector<1000x128xf32>
    tpu.vector_store %arg5[%swap3A, %swap3A_10], %add3A_9 {strides = array<i32>} : memref<1000x128xf32, #tpu.memory_space<vmem>>, vector<1000x128xf32>,
    %get3A_12 = arith.constant 0 : index
    %get3A_13 = arith.constant 0 : index
    %get3A_14 = vector.load %arg3[%get3A_12, %get3A_13] : memref<128x128xf32, #tpu.memory_space<vmem>>, vector<128x128xf32>
    %dot_general3A_15 = arith.constant dense<0.000000e+00> : vector<1000x128xf32>
    %dot_general3A_16 = tpu.matmul %get3A_1, %get3A_14, %dot_general3A_15 {dimension_numbers = #tpu.dot_dimension_numbers<[1], [0], [0], [1], [0, 0, 1, 1], [], []>, transpose_lhs_hint = false} : vector<1000x128xf32>, vector<128x128xf32>, vector<1000x128xf32> -> vector<1000x128xf32>
    %swap3A_17 = arith.constant 0 : index
    %swap3A_18 = arith.constant 0 : index
    %swap3A_19 = vector.load %arg6[%swap3A_17, %swap3A_18] : memref<1000x128xf32, #tpu.memory_space<vmem>>, vector<1000x128xf32>
    tpu.vector_store %arg6[%swap3A_17, %swap3A_18], %dot_general3A_16 {strides = array<i32>} : memref<1000x128xf32, #tpu.memory_space<vmem>>, vector<1000x128xf32>,
    return
  }
  func.func @transform_0(%arg0: i32) -> (i32, i32) {
    %c0_i32 = arith.constant 0 : i32
    %c0_i32_0 = arith.constant 0 : i32
    return %arg0, %c0_i32 : i32, i32
  }
  func.func @transform_1(%arg0: i32) -> (i32, i32) {
    %c0_i32 = arith.constant 0 : i32
    %c0_i32_0 = arith.constant 0 : i32
    %c0_i32_1 = arith.constant 0 : i32
    return %c0_i32, %c0_i32_0 : i32, i32
  }
  func.func @transform_2(%arg0: i32) -> (i32, i32) {
    %c0_i32 = arith.constant 0 : i32
    %c0_i32_0 = arith.constant 0 : i32
    %c0_i32_1 = arith.constant 0 : i32
    return %c0_i32, %c0_i32_0 : i32, i32
  }
  func.func @transform_3(%arg0: i32) -> (i32, i32) {
    %c0_i32 = arith.constant 0 : i32
    %c0_i32_0 = arith.constant 0 : i32
    %c0_i32_1 = arith.constant 0 : i32
    return %c0_i32, %c0_i32_0 : i32, i32
  }
  func.func @transform_4(%arg0: i32) -> (i32, i32) {
    %c0_i32 = arith.constant 0 : i32
    %c0_i32_0 = arith.constant 0 : i32
    return %arg0, %c0_i32 : i32, i32
  }
  func.func @transform_5(%arg0: i32) -> (i32, i32) {
    %c0_i32 = arith.constant 0 : i32
    %c0_i32_0 = arith.constant 0 : i32
    return %arg0, %c0_i32 : i32, i32
  }
}

module attributes {stable_mosaic.version = 14 : i64} {
  func.func @_combine_mm2_body(%arg0: i32, %arg1: memref<1000x128xf32, #tpu.memory_space<vmem>>, %arg2: memref<2x1000x128xf32, #tpu.memory_space<vmem>>, %arg3: memref<2x1000x128xf32, #tpu.memory_space<vmem>>, %arg4: memref<128x128xf32, #tpu.memory_space<vmem>>, %arg5: memref<128x128xf32, #tpu.memory_space<vmem>>, %arg6: memref<1x128xf32, #tpu.memory_space<vmem>>, %arg7: memref<1000x128xf32, #tpu.memory_space<vmem>>, %arg8: memref<1000x128xf32, #tpu.memory_space<vmem>>) attributes {dimension_semantics = [#tpu.dimension_semantics<arbitrary>], iteration_bounds = array<i64: 10>, scalar_prefetch = 0 : i64, scratch_operands = 0 : i64, tpu.core_type = #tpu.core_type<tc>, window_params = [{transform_indices = @transform_0, window_bounds = array<i64: 1000, 128>}, {transform_indices = @transform_1, window_bounds = array<i64: 2, 1000, 128>}, {transform_indices = @transform_2, window_bounds = array<i64: 2, 1000, 128>}, {pipeline_mode = #tpu.pipeline_mode<synchronous>, transform_indices = @transform_3, window_bounds = array<i64: 128, 128>}, {pipeline_mode = #tpu.pipeline_mode<synchronous>, transform_indices = @transform_4, window_bounds = array<i64: 128, 128>}, {pipeline_mode = #tpu.pipeline_mode<synchronous>, transform_indices = @transform_5, window_bounds = array<i64: 1, 128>}, {transform_indices = @transform_6, window_bounds = array<i64: 1000, 128>}, {transform_indices = @transform_7, window_bounds = array<i64: 1000, 128>}]} {
    %get3A = arith.constant 0 : index
    %get3A_0 = arith.constant 0 : index
    %get3A_1 = arith.constant 0 : index
    %get3A_2 = vector.load %arg3[%get3A, %get3A_0, %get3A_1] : memref<2x1000x128xf32, #tpu.memory_space<vmem>>, vector<1x1000x1xf32>
    %get3A_3 = vector.shape_cast %get3A_2 : vector<1x1000x1xf32> to vector<1000x1xf32>
    %get3A_4 = arith.constant 1 : index
    %get3A_5 = arith.constant 0 : index
    %get3A_6 = arith.constant 0 : index
    %get3A_7 = vector.load %arg3[%get3A_4, %get3A_5, %get3A_6] : memref<2x1000x128xf32, #tpu.memory_space<vmem>>, vector<1x1000x1xf32>
    %get3A_8 = vector.shape_cast %get3A_7 : vector<1x1000x1xf32> to vector<1000x1xf32>
    %add3A = arith.addf %get3A_3, %get3A_8 : vector<1000x1xf32>
    %max3A = arith.constant 1.000000e+00 : f32
    %max3A_9 = vector.broadcast %max3A : f32 to vector<1000x1xf32>
    %max3A_10 = arith.maximumf %add3A, %max3A_9 : vector<1000x1xf32>
    %div3A = arith.constant 1.000000e+00 : f32
    %div3A_11 = vector.broadcast %div3A : f32 to vector<1000x1xf32>
    %div3A_12 = arith.divf %div3A_11, %max3A_10 : vector<1000x1xf32>
    %get3A_13 = arith.constant 0 : index
    %get3A_14 = arith.constant 0 : index
    %get3A_15 = vector.load %arg1[%get3A_13, %get3A_14] : memref<1000x128xf32, #tpu.memory_space<vmem>>, vector<1000x128xf32>
    %get3A_16 = arith.constant 0 : index
    %get3A_17 = arith.constant 0 : index
    %get3A_18 = arith.constant 0 : index
    %get3A_19 = vector.load %arg2[%get3A_16, %get3A_17, %get3A_18] : memref<2x1000x128xf32, #tpu.memory_space<vmem>>, vector<1x1000x128xf32>
    %get3A_20 = vector.shape_cast %get3A_19 : vector<1x1000x128xf32> to vector<1000x128xf32>
    %get3A_21 = arith.constant 1 : index
    %get3A_22 = arith.constant 0 : index
    %get3A_23 = arith.constant 0 : index
    %get3A_24 = vector.load %arg2[%get3A_21, %get3A_22, %get3A_23] : memref<2x1000x128xf32, #tpu.memory_space<vmem>>, vector<1x1000x128xf32>
    %get3A_25 = vector.shape_cast %get3A_24 : vector<1x1000x128xf32> to vector<1000x128xf32>
    %add3A_26 = arith.addf %get3A_20, %get3A_25 : vector<1000x128xf32>
    %mul3A = vector.broadcast %div3A_12 : vector<1000x1xf32> to vector<1000x128xf32>
    %mul3A_27 = arith.mulf %add3A_26, %mul3A : vector<1000x128xf32>
    %add3A_28 = arith.addf %get3A_15, %mul3A_27 : vector<1000x128xf32>
    %max3A_29 = arith.constant 0.000000e+00 : f32
    %max3A_30 = vector.broadcast %max3A_29 : f32 to vector<1000x128xf32>
    %max3A_31 = arith.maximumf %add3A_28, %max3A_30 : vector<1000x128xf32>
    %get3A_32 = arith.constant 0 : index
    %get3A_33 = arith.constant 0 : index
    %get3A_34 = vector.load %arg4[%get3A_32, %get3A_33] : memref<128x128xf32, #tpu.memory_space<vmem>>, vector<128x128xf32>
    %dot_general3A = arith.constant dense<0.000000e+00> : vector<1000x128xf32>
    %dot_general3A_35 = tpu.matmul %max3A_31, %get3A_34, %dot_general3A {dimension_numbers = #tpu.dot_dimension_numbers<[1], [0], [0], [1], [0, 0, 1, 1], [], []>, transpose_lhs_hint = false} : vector<1000x128xf32>, vector<128x128xf32>, vector<1000x128xf32> -> vector<1000x128xf32>
    %get3A_36 = arith.constant 0 : index
    %get3A_37 = arith.constant 0 : index
    %get3A_38 = vector.load %arg6[%get3A_36, %get3A_37] : memref<1x128xf32, #tpu.memory_space<vmem>>, vector<1x128xf32>
    %add3A_39 = vector.broadcast %get3A_38 : vector<1x128xf32> to vector<1000x128xf32>
    %add3A_40 = arith.addf %dot_general3A_35, %add3A_39 : vector<1000x128xf32>
    %swap3A = arith.constant 0 : index
    %swap3A_41 = arith.constant 0 : index
    %swap3A_42 = vector.load %arg7[%swap3A, %swap3A_41] : memref<1000x128xf32, #tpu.memory_space<vmem>>, vector<1000x128xf32>
    tpu.vector_store %arg7[%swap3A, %swap3A_41], %add3A_40 {strides = array<i32>} : memref<1000x128xf32, #tpu.memory_space<vmem>>, vector<1000x128xf32>,
    %get3A_43 = arith.constant 0 : index
    %get3A_44 = arith.constant 0 : index
    %get3A_45 = vector.load %arg5[%get3A_43, %get3A_44] : memref<128x128xf32, #tpu.memory_space<vmem>>, vector<128x128xf32>
    %dot_general3A_46 = arith.constant dense<0.000000e+00> : vector<1000x128xf32>
    %dot_general3A_47 = tpu.matmul %max3A_31, %get3A_45, %dot_general3A_46 {dimension_numbers = #tpu.dot_dimension_numbers<[1], [0], [0], [1], [0, 0, 1, 1], [], []>, transpose_lhs_hint = false} : vector<1000x128xf32>, vector<128x128xf32>, vector<1000x128xf32> -> vector<1000x128xf32>
    %swap3A_48 = arith.constant 0 : index
    %swap3A_49 = arith.constant 0 : index
    %swap3A_50 = vector.load %arg8[%swap3A_48, %swap3A_49] : memref<1000x128xf32, #tpu.memory_space<vmem>>, vector<1000x128xf32>
    tpu.vector_store %arg8[%swap3A_48, %swap3A_49], %dot_general3A_47 {strides = array<i32>} : memref<1000x128xf32, #tpu.memory_space<vmem>>, vector<1000x128xf32>,
    return
  }
  func.func @transform_0(%arg0: i32) -> (i32, i32) {
    %c0_i32 = arith.constant 0 : i32
    %c0_i32_0 = arith.constant 0 : i32
    return %arg0, %c0_i32 : i32, i32
  }
  func.func @transform_1(%arg0: i32) -> (i32, i32, i32) {
    %c0_i32 = arith.constant 0 : i32
    %c0_i32_0 = arith.constant 0 : i32
    %c0_i32_1 = arith.constant 0 : i32
    return %c0_i32, %arg0, %c0_i32_0 : i32, i32, i32
  }
  func.func @transform_2(%arg0: i32) -> (i32, i32, i32) {
    %c0_i32 = arith.constant 0 : i32
    %c0_i32_0 = arith.constant 0 : i32
    %c0_i32_1 = arith.constant 0 : i32
    return %c0_i32, %arg0, %c0_i32_0 : i32, i32, i32
  }
  func.func @transform_3(%arg0: i32) -> (i32, i32) {
    %c0_i32 = arith.constant 0 : i32
    %c0_i32_0 = arith.constant 0 : i32
    %c0_i32_1 = arith.constant 0 : i32
    return %c0_i32, %c0_i32_0 : i32, i32
  }
  func.func @transform_4(%arg0: i32) -> (i32, i32) {
    %c0_i32 = arith.constant 0 : i32
    %c0_i32_0 = arith.constant 0 : i32
    %c0_i32_1 = arith.constant 0 : i32
    return %c0_i32, %c0_i32_0 : i32, i32
  }
  func.func @transform_5(%arg0: i32) -> (i32, i32) {
    %c0_i32 = arith.constant 0 : i32
    %c0_i32_0 = arith.constant 0 : i32
    %c0_i32_1 = arith.constant 0 : i32
    return %c0_i32, %c0_i32_0 : i32, i32
  }
  func.func @transform_6(%arg0: i32) -> (i32, i32) {
    %c0_i32 = arith.constant 0 : i32
    %c0_i32_0 = arith.constant 0 : i32
    return %arg0, %c0_i32 : i32, i32
  }
  func.func @transform_7(%arg0: i32) -> (i32, i32) {
    %c0_i32 = arith.constant 0 : i32
    %c0_i32_0 = arith.constant 0 : i32
    return %arg0, %c0_i32 : i32, i32
  }
}

module attributes {stable_mosaic.version = 14 : i64} {
  func.func @_combine_body(%arg0: i32, %arg1: memref<1000x128xf32, #tpu.memory_space<vmem>>, %arg2: memref<2x1000x128xf32, #tpu.memory_space<vmem>>, %arg3: memref<2x1000x128xf32, #tpu.memory_space<vmem>>, %arg4: memref<1000x128xf32, #tpu.memory_space<vmem>>) attributes {dimension_semantics = [#tpu.dimension_semantics<arbitrary>], iteration_bounds = array<i64: 10>, scalar_prefetch = 0 : i64, scratch_operands = 0 : i64, tpu.core_type = #tpu.core_type<tc>, window_params = [{transform_indices = @transform_0, window_bounds = array<i64: 1000, 128>}, {transform_indices = @transform_1, window_bounds = array<i64: 2, 1000, 128>}, {transform_indices = @transform_2, window_bounds = array<i64: 2, 1000, 128>}, {transform_indices = @transform_3, window_bounds = array<i64: 1000, 128>}]} {
    %get3A = arith.constant 0 : index
    %get3A_0 = arith.constant 0 : index
    %get3A_1 = arith.constant 0 : index
    %get3A_2 = vector.load %arg3[%get3A, %get3A_0, %get3A_1] : memref<2x1000x128xf32, #tpu.memory_space<vmem>>, vector<1x1000x1xf32>
    %get3A_3 = vector.shape_cast %get3A_2 : vector<1x1000x1xf32> to vector<1000x1xf32>
    %get3A_4 = arith.constant 1 : index
    %get3A_5 = arith.constant 0 : index
    %get3A_6 = arith.constant 0 : index
    %get3A_7 = vector.load %arg3[%get3A_4, %get3A_5, %get3A_6] : memref<2x1000x128xf32, #tpu.memory_space<vmem>>, vector<1x1000x1xf32>
    %get3A_8 = vector.shape_cast %get3A_7 : vector<1x1000x1xf32> to vector<1000x1xf32>
    %add3A = arith.addf %get3A_3, %get3A_8 : vector<1000x1xf32>
    %max3A = arith.constant 1.000000e+00 : f32
    %max3A_9 = vector.broadcast %max3A : f32 to vector<1000x1xf32>
    %max3A_10 = arith.maximumf %add3A, %max3A_9 : vector<1000x1xf32>
    %div3A = arith.constant 1.000000e+00 : f32
    %div3A_11 = vector.broadcast %div3A : f32 to vector<1000x1xf32>
    %div3A_12 = arith.divf %div3A_11, %max3A_10 : vector<1000x1xf32>
    %get3A_13 = arith.constant 0 : index
    %get3A_14 = arith.constant 0 : index
    %get3A_15 = vector.load %arg1[%get3A_13, %get3A_14] : memref<1000x128xf32, #tpu.memory_space<vmem>>, vector<1000x128xf32>
    %get3A_16 = arith.constant 0 : index
    %get3A_17 = arith.constant 0 : index
    %get3A_18 = arith.constant 0 : index
    %get3A_19 = vector.load %arg2[%get3A_16, %get3A_17, %get3A_18] : memref<2x1000x128xf32, #tpu.memory_space<vmem>>, vector<1x1000x128xf32>
    %get3A_20 = vector.shape_cast %get3A_19 : vector<1x1000x128xf32> to vector<1000x128xf32>
    %get3A_21 = arith.constant 1 : index
    %get3A_22 = arith.constant 0 : index
    %get3A_23 = arith.constant 0 : index
    %get3A_24 = vector.load %arg2[%get3A_21, %get3A_22, %get3A_23] : memref<2x1000x128xf32, #tpu.memory_space<vmem>>, vector<1x1000x128xf32>
    %get3A_25 = vector.shape_cast %get3A_24 : vector<1x1000x128xf32> to vector<1000x128xf32>
    %add3A_26 = arith.addf %get3A_20, %get3A_25 : vector<1000x128xf32>
    %mul3A = vector.broadcast %div3A_12 : vector<1000x1xf32> to vector<1000x128xf32>
    %mul3A_27 = arith.mulf %add3A_26, %mul3A : vector<1000x128xf32>
    %add3A_28 = arith.addf %get3A_15, %mul3A_27 : vector<1000x128xf32>
    %max3A_29 = arith.constant 0.000000e+00 : f32
    %max3A_30 = vector.broadcast %max3A_29 : f32 to vector<1000x128xf32>
    %max3A_31 = arith.maximumf %add3A_28, %max3A_30 : vector<1000x128xf32>
    %swap3A = arith.constant 0 : index
    %swap3A_32 = arith.constant 0 : index
    %swap3A_33 = vector.load %arg4[%swap3A, %swap3A_32] : memref<1000x128xf32, #tpu.memory_space<vmem>>, vector<1000x128xf32>
    tpu.vector_store %arg4[%swap3A, %swap3A_32], %max3A_31 {strides = array<i32>} : memref<1000x128xf32, #tpu.memory_space<vmem>>, vector<1000x128xf32>,
    return
  }
  func.func @transform_0(%arg0: i32) -> (i32, i32) {
    %c0_i32 = arith.constant 0 : i32
    %c0_i32_0 = arith.constant 0 : i32
    return %arg0, %c0_i32 : i32, i32
  }
  func.func @transform_1(%arg0: i32) -> (i32, i32, i32) {
    %c0_i32 = arith.constant 0 : i32
    %c0_i32_0 = arith.constant 0 : i32
    %c0_i32_1 = arith.constant 0 : i32
    return %c0_i32, %arg0, %c0_i32_0 : i32, i32, i32
  }
  func.func @transform_2(%arg0: i32) -> (i32, i32, i32) {
    %c0_i32 = arith.constant 0 : i32
    %c0_i32_0 = arith.constant 0 : i32
    %c0_i32_1 = arith.constant 0 : i32
    return %c0_i32, %arg0, %c0_i32_0 : i32, i32, i32
  }
  func.func @transform_3(%arg0: i32) -> (i32, i32) {
    %c0_i32 = arith.constant 0 : i32
    %c0_i32_0 = arith.constant 0 : i32
    return %arg0, %c0_i32 : i32, i32
  }
}

</mosaic_0001>

<sc_bundles>
// kernel: kernel.11.cloned.1.call-start
scs
__scs_entry_jumppad:
0x0: {  	(pc) =	sbr.rel $0x88, $3  }
0x1: {  	(tag) =	ssettag $0x0;
	lr =	simm.s32 $0x1  }
0x2: {  	[smem:$0x3F99] =	sst lr;
	_ =	strace $0xD0000000  }
0x3: {  	_ = 	snop  }
0x4: {  	_ = 	snop  }
0x5: {  	_ = 	snop  }
0x6: {  	_ = 	snop  }
0x7: {  	_ = 	snop  }
__scs_overlays_trampoline_lowered:
0x8: {  	[smem:$0x3FA8] =	sst s0  }
0x9: {  	[smem:$0x3FA9] =	sst s1  }
0xa: {  	[smem:$0x3FAA] =	sst s2  }
0xb: {  	[smem:$0x3FAB] =	sst s3  }
0xc: {  	[smem:$0x3FAC] =	sst s4  }
0xd: {  	[smem:$0x3FAD] =	sst s5  }
0xe: {  	[smem:$0x3FAE] =	sst s6  }
0xf: {  	[smem:$0x3FAF] =	sst s7  }
0x10: {  	[smem:$0x3FB0] =	sst s8  }
0x11: {  	[smem:$0x3FB1] =	sst s9;
	s0 =	simm.s32 @!p0 $0x0  }
0x12: {  	s1 =	sld [smem:$0x3F97];
	s0 =	simm.s32 @p0 $0x1  }
0x13: {  	[smem:$0x3FB2] =	sst s0;
	s0 =	simm.s32 @!p1 $0x0  }
0x14: {  	s2 =	sld [smem:$0x3F96];
	s0 =	simm.s32 @p1 $0x1  }
0x15: {  	[smem:$0x3FB3] =	sst s0;
	s0 =	simm.s32 @!p2 $0x0  }
0x16: {  	s3 =	sld [smem:$0x3FDB];
	s0 =	simm.s32 @p2 $0x1  }
0x17: {  	s4 =	simm.s32 $0x1BF5;
	[smem:$0x3FB5] =	sst s0  }
0x18: {  	s0 =	sld [smem:$0x3F98];
	_ =	swait.ge [sflag:s4], $0x0  }
0x19: {  	s7 =	sld [smem:$0x3F99]  }
0x1a: {  	s8 =	sadd.s32 $0xFFFFE003, lr  }
0x1b: {  	s9 =	sadd.s32 $0xFFFFFEF7, lr;
	s5 =	simm.s32 $0xFFFFFFFF;
	p2 =	slt.u32 s8, $0xFFFFF086  }
0x1c: {  	p1 =	slt.u32 s9, $0xF7A;
	s5 =	simm.s32 @!p2 $0x0  }
0x1d: {  	s5 =	simm.s32 @p1 $0x1;
	p0 =	seq.s32 s7, s2  }
0x1e: {  	s7 =	smul.u32 @!p0 $0xF7A, s2;
	p2 =	seq.s32 @!p0 s5, $0x0  }
0x1f: {  	s9 =	smul.u32 $0xF7A, s1;
	s8 =	simm.s32 @!p0 $0x1BF5;
	p2 =	por !p2, p0  }
0x20: {  	[sflag:s8] =	ssyncset.s32 @!p0 $0xFFFFF086;
	s6 =	sadd.s32 @!p0 s3, s7;
	s7 =	simm.s32 @!p0 $0x108  }
0x21: {  	s3 =	sadd.s32 s3, s9;
	s6 =	sadd.s32 @!p0 $0x88, s6;
	s7 =	simm.s32 @p2 $0x1082  }
0x22: {  	[simem:s7], [sflag:s8] =	dma.local @!p0 [hbm:s6], $0xF7A  }
0x23: {  	s9 =	sor.u32 $0xD0000000, s2;
	s6 =	simm.s32 $0x108;
	_ =	swait.ge @!p0 [sflag:s8], $0x0  }
0x24: {  	s3 =	sadd.s32 $0x88, s3;
	s6 =	simm.s32 @!p1 $0x1082;
	[sflag:s4] =	ssyncset.s32 $0xFFFFF086  }
0x25: {  	[simem:s6], [sflag:s4] =	dma.local [hbm:s3], $0xF7A  }
0x26: {  	[smem:$0x3F99] =	sst s1;
	(tag) =	ssettag s2;
	_ =	strace s9  }
0x27: {  	s1 =	sld [smem:$0x3FA9]  }
0x28: {  	s2 =	sld [smem:$0x3FAA]  }
0x29: {  	s4 =	sld [smem:$0x3FAC]  }
0x2a: {  	p0 =	seq.s32 s5, $0x0;
	s5 =	sld [smem:$0x3FAD]  }
0x2b: {  	s6 =	sld [smem:$0x3FAE]  }
0x2c: {  	s7 =	sld [smem:$0x3FAF]  }
0x2d: {  	s3 =	simm.s32 $0x108;
	s8 =	sld [smem:$0x3FB0]  }
0x2e: {  	s3 =	simm.s32 @!p0 $0x1082;
	s9 =	sld [smem:$0x3FB1]  }
0x2f: {  	lr =	sadd.s32 s0, s3;
	s0 =	sld [smem:$0x3FA8]  }
0x30: {  	s3 =	sld [smem:$0x3FAB]  }
0x31: {  	[smem:$0x3FB4] =	sst s10  }
0x32: {  	s10 =	sld [smem:$0x3FB2];
	_ =	sdelay $0x3  }
0x33: {  	p0 =	seq.s32 s10, $0x1;
	s10 =	sld [smem:$0x3FB4];
	_ =	sdelay $0x3  }
0x34: {  	[smem:$0x3FB4] =	sst s10  }
0x35: {  	s10 =	sld [smem:$0x3FB3];
	_ =	sdelay $0x3  }
0x36: {  	p1 =	seq.s32 s10, $0x1;
	s10 =	sld [smem:$0x3FB4];
	_ =	sdelay $0x3  }
0x37: {  	[smem:$0x3FB4] =	sst s10  }
0x38: {  	s10 =	sld [smem:$0x3FB5]  }
0x39: {  	_ = 	snop;
	(pc) =	sbr.ind lr, $3  }
0x3a: {  	_ = 	snop  }
0x3b: {  	_ = 	snop  }
0x3c: {  	p2 =	seq.s32 s10, $0x1;
	s10 =	sld [smem:$0x3FB4]  }
0x3d: {  	_ =	shalt  }
0x3e: {  	_ =	shalt  }
0x3f: {  	_ =	shalt  }
0x40: {  	_ =	shalt  }
0x41: {  	_ =	shalt  }
0x42: {  	_ =	shalt  }
0x43: {  	_ =	shalt  }
0x44: {  	_ =	shalt  }
0x45: {  	_ =	shalt  }
0x46: {  	_ =	shalt  }
0x47: {  	_ =	shalt  }
0x48: {  	_ =	shalt  }
0x49: {  	_ =	shalt  }
0x4a: {  	_ =	shalt  }
0x4b: {  	_ =	shalt  }
0x4c: {  	_ =	shalt  }
0x4d: {  	_ =	shalt  }
0x4e: {  	_ =	shalt  }
0x4f: {  	_ =	shalt  }
0x50: {  	_ =	shalt  }
0x51: {  	_ =	shalt  }
0x52: {  	_ =	shalt  }
0x53: {  	_ =	shalt  }
0x54: {  	_ =	shalt  }
0x55: {  	_ =	shalt  }
0x56: {  	_ =	shalt  }
0x57: {  	_ =	shalt  }
0x58: {  	_ =	shalt  }
0x59: {  	_ =	shalt  }
0x5a: {  	_ =	shalt  }
0x5b: {  	_ =	shalt  }
0x5c: {  	_ =	shalt  }
0x5d: {  	_ =	shalt  }
0x5e: {  	_ =	shalt  }
0x5f: {  	_ =	shalt  }
0x60: {  	_ =	shalt  }
0x61: {  	_ =	shalt  }
0x62: {  	_ =	shalt  }
0x63: {  	_ =	shalt  }
0x64: {  	_ =	shalt  }
0x65: {  	_ =	shalt  }
0x66: {  	_ =	shalt  }
0x67: {  	_ =	shalt  }
0x68: {  	_ =	shalt  }
0x69: {  	_ =	shalt  }
0x6a: {  	_ =	shalt  }
0x6b: {  	_ =	shalt  }
0x6c: {  	_ =	shalt  }
0x6d: {  	_ =	shalt  }
0x6e: {  	_ =	shalt  }
0x6f: {  	_ =	shalt  }
0x70: {  	_ =	shalt  }
0x71: {  	_ =	shalt  }
0x72: {  	_ =	shalt  }
0x73: {  	_ =	shalt  }
0x74: {  	_ =	shalt  }
0x75: {  	_ =	shalt  }
0x76: {  	_ =	shalt  }
0x77: {  	_ =	shalt  }
0x78: {  	_ =	shalt  }
0x79: {  	_ =	shalt  }
0x7a: {  	_ =	shalt  }
0x7b: {  	_ =	shalt  }
0x7c: {  	_ =	shalt  }
0x7d: {  	_ =	shalt  }
0x7e: {  	_ =	shalt  }
0x7f: {  	_ =	shalt  }
0x80: {  	_ =	shalt  }
0x81: {  	_ =	shalt  }
0x82: {  	_ =	shalt  }
0x83: {  	_ =	shalt  }
0x84: {  	_ =	shalt  }
0x85: {  	_ =	shalt  }
0x86: {  	_ =	shalt  }
0x87: {  	_ =	shalt  }
.Lfunc_end0:
.L_simem_size_0:
called_computation.1_lowered:
.L_overlay_start_0:
0x88: {  	s2 =	sld [smem:$0x3FD9]  }
0x89: {  	s3 =	sld [smem:$0x3FFE];
	_ =	sdelay $0x1  }
0x8a: {  	s1 =	srdreg.scid  }
0x8b: {  	s0 =	sand.u32 $0x1, s1  }
0x8c: {  	s17 =	sshll.u32 s0, $0xA;
	s2 =	sadd.s32 s3, s2  }
0x8d: {  	s2 =	sadd.s32 s2, s17  }
0x8e: {  	[smem:$0x3FC0] =	sst s2  }
0x8f: {  	_ = 	snop  }
0x90: {  	(tm) =	ssettm $0x1  }
0x91: {  	s18 =	sld [smem:$0x3FFB];
	_ =	sdelay $0x3  }
0x92: {  	_ =	strace s18  }
0x93: {  	s2 =	sld [smem:$0x3FFC];
	_ =	sdelay $0x3  }
0x94: {  	_ =	strace s2  }
0x95: {  	s2 =	sld [smem:$0x3FFD];
	_ =	sdelay $0x3  }
0x96: {  	_ =	strace s2  }
0x97: {  	_ =	strace $0x8FFFFFFF  }
0x98: {  	s19 =	sld [smem:$0x3FDB];
	_ =	sdelay $0x1  }
0x99: {  	s20 =	simm.s32 $_scs_section_size  }
0x9a: {  	s4 =	simm.s32 $_size__tile_overlayer_lowered;
	s5 =	simm.s32 $_tile_overlayer_lowered  }
0x9b: {  	s6 =	simm.s32 $0x1BFF;
	s21 =	sshll.u32 s5, $0x1;
	s3 =	sadd.s32 s20, s19  }
0x9c: {  	s22 =	simm.s32 $0x0;
	s4 =	sshll.u32 s4, $0x1;
	s5 =	sadd.s32 s21, s3  }
0x9d: {  	[timem:s22], [sflag:s6] =	dma.local [hbm:s5], s4  }
0x9e: {  	_ =	swait.ge [sflag:s6], s4  }
0x9f: {  	s4 =	ssub.s32 $0x0, s4;
	[sflag:s6] =	ssyncset.done $0x0  }
0xa0: {  	[sflag:s6] =	ssyncadd.s32 s4;
	_ =	sdelay $0x1  }
0xa1: {  	s23 =	simm.s32 $0x1B8B  }
0xa2: {  	_ =	swait.ge [sflag:s23], $0x1  }
0xa3: {  	[sflag:s23] =	ssyncset.done $0x0  }
0xa4: {  	[sflag:s23] =	ssyncadd.s32 $0xFFFFFFFF  }
0xa5: {  	s4 =	sld [smem:$0x0]  }
0xa6: {  	s5 =	sand.u32 $0xFFFFFFFE, s1  }
0xa7: {  	p0 =	sne.s32 s1, s5  }
0xa8: {  	s5 =	sshll.u32 @p0 s5, $0xE  }
0xa9: {  	s5 =	sadd.s32 @p0 $0x11B8D, s5;
	s6 =	sshll.u32 @p0 s4, $0x11  }
0xaa: {  	s5 =	sor.u32 @p0 s6, s5  }
0xab: {  	[sflag:s5] =	ssyncadd.remote.s32 @p0 $0x1;
	_ =	sdelay $0x1  }
0xac: {  	s5 =	simm.s32 @p0 $0x1B8D  }
0xad: {  	_ =	swait.eq @p0 [sflag:s5], $0x1  }
0xae: {  	[sflag:s5] =	ssyncadd.s32 @p0 $0xFFFFFFFF  }
0xaf: {  	s6 =	sshll.u32 @!p0 s1, $0xE  }
0xb0: {  	s6 =	sor.u32 @!p0 $0x4000, s6;
	s5 =	simm.s32 @!p0 $0x1B8D  }
0xb1: {  	s4 =	sshll.u32 @!p0 s4, $0x11;
	s6 =	sadd.s32 @!p0 $0x11B8D, s6;
	_ =	swait.eq @!p0 [sflag:s5], $0x1  }
0xb2: {  	s4 =	sor.u32 @!p0 s4, s6;
	[sflag:s5] =	ssyncadd.s32 @!p0 $0xFFFFFFFF  }
0xb3: {  	s25 =	simm.s32 $0x1B8E;
	s24 =	sld [smem:$0x3FFE];
	[sflag:s4] =	ssyncadd.remote.s32 @!p0 $0x1  }
0xb4: {  	s26 =	simm.s32 $execute0_lowered;
	[smem:$0x3FD2] =	sst s25  }
0xb5: {  	s5 =	sshll.u32 s26, $0x1;
	_ =	strace $0x80000049;
	[dreg:$0x1] =	wrdreg $0xFFFFFFFF  }
0xb6: {  	s28 =	simm.s32 $_size_execute0_lowered;
	s3 =	sadd.s32 s3, s5;
	[dreg:$0x0] =	wrdreg $0x0  }
0xb7: {  	s5 =	sshll.u32 s28, $0x1;
	[dreg:$0x2] =	wrdreg s3  }
0xb8: {  	[dreg:$0x3] =	wrdreg s5  }
0xb9: {  	[dreg:$0x4] =	wrdreg $0xC0  }
0xba: {  	_ =	task [dreg:s22], $0x5FFFF  }
0xbb: {  	[dreg:$0x1] =	wrdreg $0xFFFFFFFF  }
0xbc: {  	[dreg:$0x0] =	wrdreg $0x60  }
0xbd: {  	[dreg:$0x2] =	wrdreg s24  }
0xbe: {  	[dreg:$0x3] =	wrdreg $0x0  }
0xbf: {  	[dreg:$0x4] =	wrdreg $0xA  }
0xc0: {  	_ =	task.clear_ibuf [dreg:s22], $0x5FFFF;
	_ =	strace $0x90000049  }
0xc1: {  	s29 =	simm.s32 $0xA;
	_ =	strace $0x8000004B  }
0xc2: {  	_ =	swait.ge [sflag:s29], $0x1  }
0xc3: {  	[sflag:s29] =	ssyncadd.s32 $0xFFFFFFFF  }
0xc4: {  	_ =	strace $0x9000004B  }
0xc5: {  	_ =	sfence  }
0xc6: {  	s30 =	sld [smem:$0x0];
	_ =	sdelay $0x2  }
0xc7: {  	s31 =	sshll.u32 s1, $0xD;
	s1 =	sshrl.u32 s1, $0x2  }
0xc8: {  	s4 =	sand.u32 $0x4000, s31;
	s1 =	sadd.s32 s1, s30  }
0xc9: {  	s0 =	sor.u32 s4, s0;
	s1 =	sshll.u32 s1, $0x11  }
0xca: {  	s0 =	sor.u32 s1, s0  }
0xcb: {  	s0 =	sadd.s32 $0x8F2B, s0  }
0xcc: {  	[sflag:s0] =	ssyncadd.remote.s32 $0x1  }
0xcd: {  	_ =	sfence.sel $0xFFFF  }
0xce: {  	[dreg:$0x0] =	wrdreg $0xFFFFFFFF;
	(pc) =	sbr.abs _section_cstart, $3  }
0xcf: {  	[dreg:$0x1] =	wrdreg $0xFFFFFFFF  }
0xd0: {  	_ =	task.clear_ibuf [dreg:s22], $0x2FFFF;
	_ =	strace $0x9FFFFFFF  }
0xd1: {  	(tm) =	ssettm $0x7FFFFFFF  }
tec
execute0_lowered:
.L_overlay_start_1:
0x0: {  	(tag) =	ssettag $0x1  }
0x1: {  	s0 =	rddreg [dreg:$0x0]  }
0x2: {  	s2 =	rddreg [dreg:$0x1]  }
0x3: {  	s3 =	simm.s32 $0x0;
	s1 =	srdreg.scid;
	s9 =	stileid.u32  }
0x4: {  	s28 =	simm.s32 $0x14100;
	s29 =	simm.s32 $0x14080;
	s30 =	simm.s32 $0x1  }
0x5: {  	s31 =	simm.s32 $0x2;
	[smem:$0x7FF] =	sst s3;
	s1 =	sand.u32 $0x1, s1  }
0x6: {  	s4 =	sshll.u32 s9, $0x1;
	s6 =	sadd.s32 $0xBE00, s0;
	s8 =	smul.u32 $0x50000, s9  }
0x7: {  	s0 =	sadd.s32 $0x65E00, s0;
	s17 =	smul.u32 $0x280, s9;
	_ =	strace $0x8000004A  }
0x8: {  	s4 =	sor.u32 s1, s4;
	s5 =	ssub.s32 $0x2, s1;
	s1 =	smul.u32 $0x2800, s1  }
0x9: {  	s4 =	smul.u32 $0x2800, s4;
	s7 =	sshrl.u32 s5, $0x1;
	s21 =	sshrl.u32 s8, $0x2  }
0xa: {  	s13 =	sadd.s32 $0x80, s17;
	s15 =	sadd.s32 $0x100, s17;
	s18 =	sadd.s32 $0x180, s17  }
0xb: {  	s20 =	sadd.s32 $0x200, s17;
	s7 =	ssub.s32 s5, s7;
	s5 =	sadd.s32 s21, s2  }
0xc: {  	s11 =	sadd.s32 s1, s17;
	s14 =	sadd.s32 s1, s13;
	s13 =	sshll.u32 s13, $0x7  }
0xd: {  	s16 =	sadd.s32 s1, s15;
	s15 =	sshll.u32 s15, $0x7;
	s19 =	sshll.u32 s18, $0x7  }
0xe: {  	s18 =	sadd.s32 s1, s18;
	s21 =	smul.u32 $0x5000, s9;
	s25 =	sshll.u32 s20, $0x7  }
0xf: {  	s4 =	sshrl.u32 s4, $0x3;
	s7 =	smax.u32 s7, $0x1;
	s23 =	sadd.s32 $0x4000, s5  }
0x10: {  	s24 =	sadd.s32 $0x8000, s5;
	s10 =	sadd.s32 $0xC000, s5;
	s12 =	sshll.u32 s11, $0x4  }
0x11: {  	s11 =	sadd.s32 $0x10000, s5;
	s14 =	sshll.u32 s14, $0x4;
	s13 =	sadd.s32 s13, s2  }
0x12: {  	s16 =	sshll.u32 s16, $0x4;
	s15 =	sadd.s32 s15, s2;
	s17 =	sadd.s32 s19, s2  }
0x13: {  	s18 =	sshll.u32 s18, $0x4;
	s19 =	sadd.s32 s25, s2;
	[dreg:$0x3] =	wrdreg s7  }
0x14: {  	s25 =	simm.s32 $0x14000;
	s4 =	sadd.s32 s6, s4;
	[dreg:$0x5] =	wrdreg s23  }
0x15: {  	[dreg:$0x6] =	wrdreg s24;
	s12 =	sadd.s32 s0, s12;
	s14 =	sadd.s32 s0, s14  }
0x16: {  	s16 =	sadd.s32 s0, s16;
	s18 =	sadd.s32 s0, s18;
	s21 =	sadd.s32 s1, s21  }
0x17: {  	s1 =	sadd.s32 s1, s20;
	s24 =	simm.s32 $0x3;
	s22 =	sadd.s32 $0x4F0, s4  }
0x18: {  	s26 =	sor.u32 $0x100, s21;
	s21 =	sor.u32 $0x80, s21;
	s1 =	sshll.u32 s1, $0x4  }
0x19: {  	[dreg:$0x4] =	wrdreg s22;
	s22 =	sshrl.u32 s26, $0x3;
	s23 =	sshrl.u32 s21, $0x3  }
0x1a: {  	s20 =	sadd.s32 s0, s1;
	s26 =	simm.s32 $0x80;
	s0 =	simm.s32 $0x0  }
0x1b: {  	v0 =	vimm.f32 $0.0e+00;
	v1 =	vimm.f32 $1.000000000e+00;
	s21 =	sadd.s32 s22, s6;
	s22 =	sadd.s32 s23, s6;
	s23 =	simm.s32 $0x18100  }
.LBB2_1:
0x1c: {  	s1 =	simm.s32 $0x0;
	s6 =	simm.s32 $0x200  }
.LBB2_2:
0x1d: {  	p0 =	sne.s32 s6, $0xFE00;
	[tilespmem:s1+$0x18170] =	vst v0  }
0x1e: {  	[tilespmem:s1+$0x18100] =	vst v0  }
0x1f: {  	[tilespmem:s1+$0x18110] =	vst v0  }
.Ltmp0:
0x20: {  	[tilespmem:s1+$0x18120] =	vst v0;
	(pc) =	sbr.rel @p0 .LBB2_2-.Ltmp0, $4  }
0x21: {  	[tilespmem:s1+$0x18130] =	vst v0  }
0x22: {  	[tilespmem:s1+$0x18140] =	vst v0  }
0x23: {  	[tilespmem:s1+$0x18150] =	vst v0  }
0x24: {  	[tilespmem:s1+$0x18160] =	vst v0;
	s1 =	sshra.s32 s6, $0x2;
	s6 =	sadd.s32 $0x200, s6  }
0x25: {  	[tilespmem:s1+$0x18170] =	vst v0  }
0x26: {  	[tilespmem:s1+$0x18100] =	vst v0  }
0x27: {  	[tilespmem:s1+$0x18110] =	vst v0  }
0x28: {  	[tilespmem:s1+$0x18120] =	vst v0  }
0x29: {  	[tilespmem:s1+$0x18130] =	vst v0  }
0x2a: {  	[tilespmem:s1+$0x18140] =	vst v0  }
0x2b: {  	[tilespmem:s1+$0x18150] =	vst v0  }
0x2c: {  	[tilespmem:s1+$0x18160] =	vst v0  }
0x2d: {  	[spmem:s5] =	stream.linear.scatter [tilespmem:s23], [sflag:$0x3], $0x4000, $0x38;
	[tilespmem:$0x1C100] =	vst v63  }
0x2e: {  	_ =	swait.ge [sflag:s24], $0x4000  }
0x2f: {  	[sflag:s24] =	ssyncset.done $0x0  }
0x30: {  	s8 =	rddreg [dreg:$0x5];
	[sflag:s24] =	ssyncadd.s32 $0xFFFFC000  }
0x31: {  	[spmem:s8] =	stream.linear.scatter [tilespmem:s23], [sflag:$0x3], $0x4000, $0x38;
	[tilespmem:$0x1C100] =	vst v63  }
0x32: {  	_ =	swait.ge [sflag:s24], $0x4000  }
0x33: {  	[sflag:s24] =	ssyncset.done $0x0  }
0x34: {  	s9 =	rddreg [dreg:$0x6];
	[sflag:s24] =	ssyncadd.s32 $0xFFFFC000  }
0x35: {  	[spmem:s9] =	stream.linear.scatter [tilespmem:s23], [sflag:$0x3], $0x4000, $0x38;
	[tilespmem:$0x1C100] =	vst v63  }
0x36: {  	_ =	swait.ge [sflag:s24], $0x4000  }
0x37: {  	[sflag:s24] =	ssyncset.done $0x0  }
0x38: {  	[sflag:s24] =	ssyncadd.s32 $0xFFFFC000  }
0x39: {  	[spmem:s10] =	stream.linear.scatter [tilespmem:s23], [sflag:$0x3], $0x4000, $0x38;
	[tilespmem:$0x1C100] =	vst v63  }
0x3a: {  	_ =	swait.ge [sflag:s24], $0x4000  }
0x3b: {  	[sflag:s24] =	ssyncset.done $0x0  }
0x3c: {  	[sflag:s24] =	ssyncadd.s32 $0xFFFFC000  }
0x3d: {  	[spmem:s11] =	stream.linear.scatter [tilespmem:s23], [sflag:$0x3], $0x4000, $0x38;
	[tilespmem:$0x1C100] =	vst v63  }
0x3e: {  	_ =	swait.ge [sflag:s24], $0x4000  }
0x3f: {  	[sflag:s24] =	ssyncset.done $0x0  }
0x40: {  	s1 =	simm.s32 $0x0;
	s6 =	simm.s32 $0x200;
	[sflag:s24] =	ssyncadd.s32 $0xFFFFC000  }
.LBB2_4:
0x41: {  	p0 =	sne.s32 s6, $0xFE00;
	[tilespmem:s1+$0x14170] =	vst v1  }
0x42: {  	[tilespmem:s1+$0x14100] =	vst v1  }
0x43: {  	[tilespmem:s1+$0x14110] =	vst v1  }
.Ltmp1:
0x44: {  	[tilespmem:s1+$0x14120] =	vst v1;
	(pc) =	sbr.rel @p0 .LBB2_4-.Ltmp1, $4  }
0x45: {  	[tilespmem:s1+$0x14130] =	vst v1  }
0x46: {  	[tilespmem:s1+$0x14140] =	vst v1  }
0x47: {  	[tilespmem:s1+$0x14150] =	vst v1  }
0x48: {  	[tilespmem:s1+$0x14160] =	vst v1;
	s1 =	sshra.s32 s6, $0x2;
	s6 =	sadd.s32 $0x200, s6  }
0x49: {  	[tilespmem:s1+$0x14170] =	vst v1  }
0x4a: {  	[tilespmem:s1+$0x14100] =	vst v1  }
0x4b: {  	[tilespmem:s1+$0x14110] =	vst v1  }
0x4c: {  	[tilespmem:s1+$0x14120] =	vst v1  }
0x4d: {  	[tilespmem:s1+$0x14130] =	vst v1  }
0x4e: {  	[tilespmem:s1+$0x14140] =	vst v1  }
0x4f: {  	[tilespmem:s1+$0x14150] =	vst v1  }
0x50: {  	[tilespmem:s1+$0x14160] =	vst v1  }
0x51: {  	s7 =	simm.s32 $0x0;
	[bflag:$0x0] =	sbarrier.arrive $0xFFFF  }
0x52: {  	[tilespmem:s25], [sflag:$0x3] =	stream.linear.gather [hbm4b:s4+s7], $0x80, $0x38;
	[tilespmem:$0x1C100] =	vst v63  }
0x53: {  	_ =	swait.ge [sflag:s24], $0x80  }
0x54: {  	[sflag:s24] =	ssyncset.done $0x0  }
0x55: {  	[sflag:s24] =	ssyncadd.s32 $0xFFFFFF80  }
0x56: {  	[spmem:s2] =	stream.indirect.scatter.add.f32 [tilespmem:s28], [sflag:$0x1], $0x80, s25, s26, $0xb8;
	[tilespmem:$0x1C100] =	vst v63  }
0x57: {  	s8 =	sadd.s32 $0x0, s22  }
0x58: {  	[tilespmem:s29], [sflag:$0x3] =	stream.linear.gather [hbm4b:s8+s3], $0x80, $0x38;
	[tilespmem:$0x1C100] =	vst v63  }
0x59: {  	_ =	swait.ge [sflag:s24], $0x80  }
0x5a: {  	[sflag:s24] =	ssyncset.done $0x0  }
0x5b: {  	[sflag:s24] =	ssyncadd.s32 $0xFFFFFF80  }
0x5c: {  	[spmem:s2] =	stream.indirect.scatter.add.f32 [tilespmem:s28], [sflag:$0x2], $0x80, s29, s26, $0xb8;
	[tilespmem:$0x1C100] =	vst v63  }
0x5d: {  	_ =	swait.ge [sflag:s30], $0x4000  }
0x5e: {  	[sflag:s30] =	ssyncset.done $0x0  }
0x5f: {  	s9 =	sadd.s32 $0x0, s21;
	[sflag:s30] =	ssyncadd.s32 $0xFFFFC000  }
0x60: {  	[tilespmem:s25], [sflag:$0x3] =	stream.linear.gather [hbm4b:s9+s3], $0x80, $0x38;
	[tilespmem:$0x1C100] =	vst v63  }
0x61: {  	_ =	swait.ge [sflag:s24], $0x80  }
0x62: {  	[sflag:s24] =	ssyncset.done $0x0  }
0x63: {  	[sflag:s24] =	ssyncadd.s32 $0xFFFFFF80  }
0x64: {  	[spmem:s2] =	stream.indirect.scatter.add.f32 [tilespmem:s28], [sflag:$0x1], $0x80, s25, s26, $0xb8;
	[tilespmem:$0x1C100] =	vst v63  }
0x65: {  	_ =	swait.ge [sflag:s31], $0x4000  }
0x66: {  	s1 =	simm.s32 $0x20;
	s6 =	simm.s32 $0x40;
	[sflag:s31] =	ssyncset.done $0x0  }
.LBB2_6:
0x67: {  	s7 =	sadd.s32 s1, s22  }
0x68: {  	[sflag:s31] =	ssyncadd.s32 $0xFFFFC000;
	s8 =	smov.u32 s6;
	s9 =	sadd.s32 $0x20, s6  }
0x69: {  	[tilespmem:s29], [sflag:$0x3] =	stream.linear.gather [hbm4b:s7+s3], $0x80, $0x38;
	[tilespmem:$0x1C100] =	vst v63  }
0x6a: {  	p0 =	sne.s32 s6, $0x4C0;
	_ =	swait.ge [sflag:s24], $0x80  }
0x6b: {  	[sflag:s24] =	ssyncset.done $0x0  }
0x6c: {  	[sflag:s24] =	ssyncadd.s32 $0xFFFFFF80  }
0x6d: {  	[spmem:s2] =	stream.indirect.scatter.add.f32 [tilespmem:s28], [sflag:$0x2], $0x80, s29, s26, $0xb8;
	[tilespmem:$0x1C100] =	vst v63  }
0x6e: {  	_ =	swait.ge [sflag:s30], $0x4000  }
0x6f: {  	[sflag:s30] =	ssyncset.done $0x0  }
0x70: {  	s6 =	sadd.s32 s1, s21;
	s1 =	smov.u32 s8;
	[sflag:s30] =	ssyncadd.s32 $0xFFFFC000  }
0x71: {  	[tilespmem:s25], [sflag:$0x3] =	stream.linear.gather [hbm4b:s6+s3], $0x80, $0x38;
	[tilespmem:$0x1C100] =	vst v63  }
0x72: {  	_ =	swait.ge [sflag:s24], $0x80  }
.Ltmp2:
0x73: {  	[sflag:s24] =	ssyncset.done $0x0;
	(pc) =	sbr.rel @p0 .LBB2_6-.Ltmp2, $4  }
0x74: {  	[sflag:s24] =	ssyncadd.s32 $0xFFFFFF80  }
0x75: {  	[spmem:s2] =	stream.indirect.scatter.add.f32 [tilespmem:s28], [sflag:$0x1], $0x80, s25, s26, $0xb8;
	[tilespmem:$0x1C100] =	vst v63  }
0x76: {  	_ =	swait.ge [sflag:s31], $0x4000  }
0x77: {  	s6 =	smov.u32 s9;
	[sflag:s31] =	ssyncset.done $0x0  }
0x78: {  	s6 =	sadd.s32 s1, s22;
	[sflag:s31] =	ssyncadd.s32 $0xFFFFC000  }
0x79: {  	[tilespmem:s29], [sflag:$0x3] =	stream.linear.gather [hbm4b:s6+s3], $0x80, $0x38;
	[tilespmem:$0x1C100] =	vst v63  }
0x7a: {  	_ =	swait.ge [sflag:s24], $0x80  }
0x7b: {  	[sflag:s24] =	ssyncset.done $0x0  }
0x7c: {  	[sflag:s24] =	ssyncadd.s32 $0xFFFFFF80  }
0x7d: {  	[spmem:s2] =	stream.indirect.scatter.add.f32 [tilespmem:s28], [sflag:$0x2], $0x80, s29, s26, $0xb8;
	[tilespmem:$0x1C100] =	vst v63  }
0x7e: {  	_ =	swait.ge [sflag:s30], $0x4000  }
0x7f: {  	[sflag:s30] =	ssyncset.done $0x0  }
0x80: {  	s7 =	sadd.s32 s1, s21;
	[sflag:s30] =	ssyncadd.s32 $0xFFFFC000  }
0x81: {  	[tilespmem:s25], [sflag:$0x3] =	stream.linear.gather [hbm4b:s7+s3], $0x80, $0x38;
	[tilespmem:$0x1C100] =	vst v63  }
0x82: {  	_ =	swait.ge [sflag:s24], $0x80  }
0x83: {  	[sflag:s24] =	ssyncset.done $0x0  }
0x84: {  	[sflag:s24] =	ssyncadd.s32 $0xFFFFFF80  }
0x85: {  	[spmem:s2] =	stream.indirect.scatter.add.f32 [tilespmem:s28], [sflag:$0x1], $0x80, s25, s26, $0xb8;
	[tilespmem:$0x1C100] =	vst v63  }
0x86: {  	_ =	swait.ge [sflag:s31], $0x4000  }
0x87: {  	[sflag:s31] =	ssyncset.done $0x0  }
0x88: {  	s8 =	rddreg [dreg:$0x4];
	[sflag:s31] =	ssyncadd.s32 $0xFFFFC000  }
0x89: {  	[tilespmem:s29], [sflag:$0x3] =	stream.linear.gather [hbm4b:s8+s3], $0x80, $0x38;
	[tilespmem:$0x1C100] =	vst v63  }
0x8a: {  	_ =	swait.ge [sflag:s24], $0x80  }
0x8b: {  	[sflag:s24] =	ssyncset.done $0x0  }
0x8c: {  	[sflag:s24] =	ssyncadd.s32 $0xFFFFFF80  }
0x8d: {  	[spmem:s2] =	stream.indirect.scatter.add.f32 [tilespmem:s28], [sflag:$0x2], $0x80, s29, s26, $0xb8;
	[tilespmem:$0x1C100] =	vst v63  }
0x8e: {  	_ =	swait.ge [sflag:s30], $0x4000  }
0x8f: {  	[sflag:s30] =	ssyncset.done $0x0  }
0x90: {  	[sflag:s30] =	ssyncadd.s32 $0xFFFFC000  }
0x91: {  	_ =	swait.ge [sflag:s31], $0x4000  }
0x92: {  	[sflag:s31] =	ssyncset.done $0x0  }
0x93: {  	[sflag:s31] =	ssyncadd.s32 $0xFFFFC000  }
0x94: {  	[bflag:$0x0] =	sbarrier.arrive $0xFFFF  }
0x95: {  	[tilespmem:s23], [sflag:$0x3] =	stream.linear.gather [spmem:s5], $0x4000, $0x38;
	[tilespmem:$0x1C100] =	vst v63  }
0x96: {  	_ =	swait.ge [sflag:s24], $0x4000  }
0x97: {  	[sflag:s24] =	ssyncset.done $0x0  }
0x98: {  	[sflag:s24] =	ssyncadd.s32 $0xFFFFC000  }
0x99: {  	[hbm4b:s12+s3] =	stream.linear.scatter [tilespmem:s23], [sflag:$0x3], $0x4000, $0x38;
	[tilespmem:$0x1C100] =	vst v63  }
0x9a: {  	_ =	swait.ge [sflag:s24], $0x4000  }
0x9b: {  	[sflag:s24] =	ssyncset.done $0x0  }
0x9c: {  	[sflag:s24] =	ssyncadd.s32 $0xFFFFC000  }
0x9d: {  	[tilespmem:s23], [sflag:$0x3] =	stream.linear.gather [spmem:s13], $0x4000, $0x38;
	[tilespmem:$0x1C100] =	vst v63  }
0x9e: {  	_ =	swait.ge [sflag:s24], $0x4000  }
0x9f: {  	[sflag:s24] =	ssyncset.done $0x0  }
0xa0: {  	[sflag:s24] =	ssyncadd.s32 $0xFFFFC000  }
0xa1: {  	[hbm4b:s14+s3] =	stream.linear.scatter [tilespmem:s23], [sflag:$0x3], $0x4000, $0x38;
	[tilespmem:$0x1C100] =	vst v63  }
0xa2: {  	_ =	swait.ge [sflag:s24], $0x4000  }
0xa3: {  	[sflag:s24] =	ssyncset.done $0x0  }
0xa4: {  	[sflag:s24] =	ssyncadd.s32 $0xFFFFC000  }
0xa5: {  	[tilespmem:s23], [sflag:$0x3] =	stream.linear.gather [spmem:s15], $0x4000, $0x38;
	[tilespmem:$0x1C100] =	vst v63  }
0xa6: {  	_ =	swait.ge [sflag:s24], $0x4000  }
0xa7: {  	[sflag:s24] =	ssyncset.done $0x0  }
0xa8: {  	[sflag:s24] =	ssyncadd.s32 $0xFFFFC000  }
0xa9: {  	[hbm4b:s16+s3] =	stream.linear.scatter [tilespmem:s23], [sflag:$0x3], $0x4000, $0x38;
	[tilespmem:$0x1C100] =	vst v63  }
0xaa: {  	_ =	swait.ge [sflag:s24], $0x4000  }
0xab: {  	[sflag:s24] =	ssyncset.done $0x0  }
0xac: {  	[sflag:s24] =	ssyncadd.s32 $0xFFFFC000  }
0xad: {  	[tilespmem:s23], [sflag:$0x3] =	stream.linear.gather [spmem:s17], $0x4000, $0x38;
	[tilespmem:$0x1C100] =	vst v63  }
0xae: {  	_ =	swait.ge [sflag:s24], $0x4000  }
0xaf: {  	[sflag:s24] =	ssyncset.done $0x0  }
0xb0: {  	[sflag:s24] =	ssyncadd.s32 $0xFFFFC000  }
0xb1: {  	[hbm4b:s18+s3] =	stream.linear.scatter [tilespmem:s23], [sflag:$0x3], $0x4000, $0x38;
	[tilespmem:$0x1C100] =	vst v63  }
0xb2: {  	_ =	swait.ge [sflag:s24], $0x4000  }
0xb3: {  	[sflag:s24] =	ssyncset.done $0x0  }
0xb4: {  	[sflag:s24] =	ssyncadd.s32 $0xFFFFC000  }
0xb5: {  	[tilespmem:s23], [sflag:$0x3] =	stream.linear.gather [spmem:s19], $0x4000, $0x38;
	[tilespmem:$0x1C100] =	vst v63  }
0xb6: {  	_ =	swait.ge [sflag:s24], $0x4000  }
0xb7: {  	[sflag:s24] =	ssyncset.done $0x0  }
0xb8: {  	[sflag:s24] =	ssyncadd.s32 $0xFFFFC000  }
0xb9: {  	[hbm4b:s20+s3] =	stream.linear.scatter [tilespmem:s23], [sflag:$0x3], $0x4000, $0x38;
	[tilespmem:$0x1C100] =	vst v63  }
0xba: {  	_ =	swait.ge [sflag:s24], $0x4000  }
0xbb: {  	s0 =	sadd.s32 $0x1, s0;
	s9 =	rddreg [dreg:$0x3]  }
0xbc: {  	p0 =	sne.s32 s0, s9  }
.Ltmp3:
0xbd: {  	_ = 	snop;
	(pc) =	sbr.rel @p0 .LBB2_1-.Ltmp3, $3  }
0xbe: {  	_ =	sdelay $0x1  }
0xbf: {  	[sflag:s24] =	ssyncset.done $0x0  }
0xc0: {  	[sflag:s24] =	ssyncadd.s32 $0xFFFFC000  }
0xc1: {  	_ =	sfence.sel $0x180000  }
0xc2: {  	[bflag:$0x0] =	sbarrier.arrive $0xFFFF  }
0xc3: {  	_ =	strace $0x9000004A  }
0xc4: {  	s0 =	stileid.u32;
	[bflag:$0x2] =	sbarrier.arrive $0xFFFF  }
0xc5: {  	p0 =	sne.s32 s0, $0x0;
	s0 =	rddreg [dreg:$0x2]  }
0xc6: {  	s0 =	sadd.s32 @!p0 $0x100000, s0  }
0xc7: {  	[sflag:s0] =	ssyncadd.tile.s32 @!p0 $0x1;
	_ =	shalt  }
.Lfunc_end2:
_tile_overlayer_lowered:
.L_overlay_start_2:
0xc8: {  	(tag) =	ssettag $0x2  }
0xc9: {  	s0 =	rddreg [dreg:$0x0];
	s2 =	stileid.u32  }
0xca: {  	s1 =	rddreg [dreg:$0x1];
	p0 =	sne.s32 s2, $0x0  }
0xcb: {  	s3 =	rddreg [dreg:$0x2];
	[bflag:$0x3] =	sbarrier.arrive $0xFFFF;
	s2 =	simm.s32 @!p0 $0x1C03  }
0xcc: {  	[timem:s3], [sflag:s2] =	dma.local @!p0 [hbm:s0], s1  }
0xcd: {  	s0 =	simm.s32 @!p0 $0x3  }
0xce: {  	_ =	swait.ge @!p0 [sflag:s0], s1  }
0xcf: {  	s1 =	ssub.s32 @!p0 $0x0, s1;
	[sflag:s0] =	ssyncset.done @!p0 $0x0  }
0xd0: {  	[sflag:s0] =	ssyncadd.s32 @!p0 s1  }
0xd1: {  	[bflag:$0x3] =	sbarrier.arrive $0xFFFF  }
0xd2: {  	_ =	shalt  }

// kernel: kernel.14.cloned.1.call-start
scs
__scs_entry_jumppad:
0x0: {  	(pc) =	sbr.rel $0x88, $3  }
0x1: {  	(tag) =	ssettag $0x0;
	lr =	simm.s32 $0x1  }
0x2: {  	[smem:$0x3F99] =	sst lr;
	_ =	strace $0xD0000000  }
0x3: {  	_ = 	snop  }
0x4: {  	_ = 	snop  }
0x5: {  	_ = 	snop  }
0x6: {  	_ = 	snop  }
0x7: {  	_ = 	snop  }
__scs_overlays_trampoline_lowered:
0x8: {  	[smem:$0x3FA8] =	sst s0  }
0x9: {  	[smem:$0x3FA9] =	sst s1  }
0xa: {  	[smem:$0x3FAA] =	sst s2  }
0xb: {  	[smem:$0x3FAB] =	sst s3  }
0xc: {  	[smem:$0x3FAC] =	sst s4  }
0xd: {  	[smem:$0x3FAD] =	sst s5  }
0xe: {  	[smem:$0x3FAE] =	sst s6  }
0xf: {  	[smem:$0x3FAF] =	sst s7  }
0x10: {  	[smem:$0x3FB0] =	sst s8  }
0x11: {  	[smem:$0x3FB1] =	sst s9;
	s0 =	simm.s32 @!p0 $0x0  }
0x12: {  	s1 =	sld [smem:$0x3F97];
	s0 =	simm.s32 @p0 $0x1  }
0x13: {  	[smem:$0x3FB2] =	sst s0;
	s0 =	simm.s32 @!p1 $0x0  }
0x14: {  	s2 =	sld [smem:$0x3F96];
	s0 =	simm.s32 @p1 $0x1  }
0x15: {  	[smem:$0x3FB3] =	sst s0;
	s0 =	simm.s32 @!p2 $0x0  }
0x16: {  	s3 =	sld [smem:$0x3FDB];
	s0 =	simm.s32 @p2 $0x1  }
0x17: {  	s4 =	simm.s32 $0x1BF5;
	[smem:$0x3FB5] =	sst s0  }
0x18: {  	s0 =	sld [smem:$0x3F98];
	_ =	swait.ge [sflag:s4], $0x0  }
0x19: {  	s7 =	sld [smem:$0x3F99]  }
0x1a: {  	s8 =	sadd.s32 $0xFFFFE003, lr  }
0x1b: {  	s9 =	sadd.s32 $0xFFFFFEF7, lr;
	s5 =	simm.s32 $0xFFFFFFFF;
	p2 =	slt.u32 s8, $0xFFFFF086  }
0x1c: {  	p1 =	slt.u32 s9, $0xF7A;
	s5 =	simm.s32 @!p2 $0x0  }
0x1d: {  	s5 =	simm.s32 @p1 $0x1;
	p0 =	seq.s32 s7, s2  }
0x1e: {  	s7 =	smul.u32 @!p0 $0xF7A, s2;
	p2 =	seq.s32 @!p0 s5, $0x0  }
0x1f: {  	s9 =	smul.u32 $0xF7A, s1;
	s8 =	simm.s32 @!p0 $0x1BF5;
	p2 =	por !p2, p0  }
0x20: {  	[sflag:s8] =	ssyncset.s32 @!p0 $0xFFFFF086;
	s6 =	sadd.s32 @!p0 s3, s7;
	s7 =	simm.s32 @!p0 $0x108  }
0x21: {  	s3 =	sadd.s32 s3, s9;
	s6 =	sadd.s32 @!p0 $0x88, s6;
	s7 =	simm.s32 @p2 $0x1082  }
0x22: {  	[simem:s7], [sflag:s8] =	dma.local @!p0 [hbm:s6], $0xF7A  }
0x23: {  	s9 =	sor.u32 $0xD0000000, s2;
	s6 =	simm.s32 $0x108;
	_ =	swait.ge @!p0 [sflag:s8], $0x0  }
0x24: {  	s3 =	sadd.s32 $0x88, s3;
	s6 =	simm.s32 @!p1 $0x1082;
	[sflag:s4] =	ssyncset.s32 $0xFFFFF086  }
0x25: {  	[simem:s6], [sflag:s4] =	dma.local [hbm:s3], $0xF7A  }
0x26: {  	[smem:$0x3F99] =	sst s1;
	(tag) =	ssettag s2;
	_ =	strace s9  }
0x27: {  	s1 =	sld [smem:$0x3FA9]  }
0x28: {  	s2 =	sld [smem:$0x3FAA]  }
0x29: {  	s4 =	sld [smem:$0x3FAC]  }
0x2a: {  	p0 =	seq.s32 s5, $0x0;
	s5 =	sld [smem:$0x3FAD]  }
0x2b: {  	s6 =	sld [smem:$0x3FAE]  }
0x2c: {  	s7 =	sld [smem:$0x3FAF]  }
0x2d: {  	s3 =	simm.s32 $0x108;
	s8 =	sld [smem:$0x3FB0]  }
0x2e: {  	s3 =	simm.s32 @!p0 $0x1082;
	s9 =	sld [smem:$0x3FB1]  }
0x2f: {  	lr =	sadd.s32 s0, s3;
	s0 =	sld [smem:$0x3FA8]  }
0x30: {  	s3 =	sld [smem:$0x3FAB]  }
0x31: {  	[smem:$0x3FB4] =	sst s10  }
0x32: {  	s10 =	sld [smem:$0x3FB2];
	_ =	sdelay $0x3  }
0x33: {  	p0 =	seq.s32 s10, $0x1;
	s10 =	sld [smem:$0x3FB4];
	_ =	sdelay $0x3  }
0x34: {  	[smem:$0x3FB4] =	sst s10  }
0x35: {  	s10 =	sld [smem:$0x3FB3];
	_ =	sdelay $0x3  }
0x36: {  	p1 =	seq.s32 s10, $0x1;
	s10 =	sld [smem:$0x3FB4];
	_ =	sdelay $0x3  }
0x37: {  	[smem:$0x3FB4] =	sst s10  }
0x38: {  	s10 =	sld [smem:$0x3FB5]  }
0x39: {  	_ = 	snop;
	(pc) =	sbr.ind lr, $3  }
0x3a: {  	_ = 	snop  }
0x3b: {  	_ = 	snop  }
0x3c: {  	p2 =	seq.s32 s10, $0x1;
	s10 =	sld [smem:$0x3FB4]  }
0x3d: {  	_ =	shalt  }
0x3e: {  	_ =	shalt  }
0x3f: {  	_ =	shalt  }
0x40: {  	_ =	shalt  }
0x41: {  	_ =	shalt  }
0x42: {  	_ =	shalt  }
0x43: {  	_ =	shalt  }
0x44: {  	_ =	shalt  }
0x45: {  	_ =	shalt  }
0x46: {  	_ =	shalt  }
0x47: {  	_ =	shalt  }
0x48: {  	_ =	shalt  }
0x49: {  	_ =	shalt  }
0x4a: {  	_ =	shalt  }
0x4b: {  	_ =	shalt  }
0x4c: {  	_ =	shalt  }
0x4d: {  	_ =	shalt  }
0x4e: {  	_ =	shalt  }
0x4f: {  	_ =	shalt  }
0x50: {  	_ =	shalt  }
0x51: {  	_ =	shalt  }
0x52: {  	_ =	shalt  }
0x53: {  	_ =	shalt  }
0x54: {  	_ =	shalt  }
0x55: {  	_ =	shalt  }
0x56: {  	_ =	shalt  }
0x57: {  	_ =	shalt  }
0x58: {  	_ =	shalt  }
0x59: {  	_ =	shalt  }
0x5a: {  	_ =	shalt  }
0x5b: {  	_ =	shalt  }
0x5c: {  	_ =	shalt  }
0x5d: {  	_ =	shalt  }
0x5e: {  	_ =	shalt  }
0x5f: {  	_ =	shalt  }
0x60: {  	_ =	shalt  }
0x61: {  	_ =	shalt  }
0x62: {  	_ =	shalt  }
0x63: {  	_ =	shalt  }
0x64: {  	_ =	shalt  }
0x65: {  	_ =	shalt  }
0x66: {  	_ =	shalt  }
0x67: {  	_ =	shalt  }
0x68: {  	_ =	shalt  }
0x69: {  	_ =	shalt  }
0x6a: {  	_ =	shalt  }
0x6b: {  	_ =	shalt  }
0x6c: {  	_ =	shalt  }
0x6d: {  	_ =	shalt  }
0x6e: {  	_ =	shalt  }
0x6f: {  	_ =	shalt  }
0x70: {  	_ =	shalt  }
0x71: {  	_ =	shalt  }
0x72: {  	_ =	shalt  }
0x73: {  	_ =	shalt  }
0x74: {  	_ =	shalt  }
0x75: {  	_ =	shalt  }
0x76: {  	_ =	shalt  }
0x77: {  	_ =	shalt  }
0x78: {  	_ =	shalt  }
0x79: {  	_ =	shalt  }
0x7a: {  	_ =	shalt  }
0x7b: {  	_ =	shalt  }
0x7c: {  	_ =	shalt  }
0x7d: {  	_ =	shalt  }
0x7e: {  	_ =	shalt  }
0x7f: {  	_ =	shalt  }
0x80: {  	_ =	shalt  }
0x81: {  	_ =	shalt  }
0x82: {  	_ =	shalt  }
0x83: {  	_ =	shalt  }
0x84: {  	_ =	shalt  }
0x85: {  	_ =	shalt  }
0x86: {  	_ =	shalt  }
0x87: {  	_ =	shalt  }
.Lfunc_end0:
.L_simem_size_0:
called_computation.2_lowered:
.L_overlay_start_0:
0x88: {  	s2 =	sld [smem:$0x3FD9]  }
0x89: {  	s3 =	sld [smem:$0x3FFE];
	_ =	sdelay $0x1  }
0x8a: {  	s1 =	srdreg.scid  }
0x8b: {  	s0 =	sand.u32 $0x1, s1  }
0x8c: {  	s17 =	sshll.u32 s0, $0xA;
	s2 =	sadd.s32 s3, s2  }
0x8d: {  	s2 =	sadd.s32 s2, s17  }
0x8e: {  	[smem:$0x3FC0] =	sst s2  }
0x8f: {  	_ = 	snop  }
0x90: {  	s2 =	sld [smem:$0x3FD0];
	(tm) =	ssettm $0x1  }
0x91: {  	s18 =	sld [smem:$0x3FFB];
	_ =	sdelay $0x3  }
0x92: {  	_ =	strace s18  }
0x93: {  	s3 =	sld [smem:$0x3FFC];
	_ =	sdelay $0x3  }
0x94: {  	_ =	strace s3  }
0x95: {  	s3 =	sld [smem:$0x3FFD];
	_ =	sdelay $0x3  }
0x96: {  	_ =	strace s3  }
0x97: {  	_ =	strace $0x8FFFFFFF  }
0x98: {  	s19 =	sld [smem:$0x3FDB];
	_ =	sdelay $0x1  }
0x99: {  	s4 =	simm.s32 $_scs_section_size  }
0x9a: {  	s5 =	simm.s32 $_size__tile_overlayer_lowered;
	s6 =	simm.s32 $_tile_overlayer_lowered  }
0x9b: {  	s22 =	simm.s32 $0x1BFF;
	s21 =	sshll.u32 s6, $0x1;
	s3 =	sadd.s32 s4, s19  }
0x9c: {  	s7 =	simm.s32 $0x0;
	s20 =	sshll.u32 s5, $0x1;
	s5 =	sadd.s32 s21, s3  }
0x9d: {  	[timem:s7], [sflag:s22] =	dma.local [hbm:s5], s20  }
0x9e: {  	_ =	swait.ge [sflag:s22], s20  }
0x9f: {  	s4 =	ssub.s32 $0x0, s20;
	[sflag:s22] =	ssyncset.done $0x0  }
0xa0: {  	[sflag:s22] =	ssyncadd.s32 s4;
	_ =	sdelay $0x1  }
0xa1: {  	s23 =	simm.s32 $0x1B8B  }
0xa2: {  	_ =	swait.ge [sflag:s23], $0x1  }
0xa3: {  	[sflag:s23] =	ssyncset.done $0x0  }
0xa4: {  	s25 =	simm.s32 $0x1B8E;
	s24 =	sld [smem:$0x3FFE];
	[sflag:s23] =	ssyncadd.s32 $0xFFFFFFFF  }
0xa5: {  	s26 =	simm.s32 $execute0_lowered;
	[smem:$0x3FD2] =	sst s25  }
0xa6: {  	s5 =	sshll.u32 s26, $0x1;
	_ =	strace $0x8000004C;
	[dreg:$0x1] =	wrdreg $0xFFFFFFFF  }
0xa7: {  	s28 =	simm.s32 $_size_execute0_lowered;
	s3 =	sadd.s32 s3, s5;
	[dreg:$0x0] =	wrdreg $0x0  }
0xa8: {  	s5 =	sshll.u32 s28, $0x1;
	[dreg:$0x2] =	wrdreg s3  }
0xa9: {  	[dreg:$0x3] =	wrdreg s5  }
0xaa: {  	[dreg:$0x4] =	wrdreg $0xC0  }
0xab: {  	_ =	task [dreg:s7], $0x5FFFF  }
0xac: {  	[dreg:$0x1] =	wrdreg $0xFFFFFFFF  }
0xad: {  	[dreg:$0x0] =	wrdreg $0x60  }
0xae: {  	[dreg:$0x2] =	wrdreg s2  }
0xaf: {  	[dreg:$0x3] =	wrdreg s24  }
0xb0: {  	[dreg:$0x4] =	wrdreg $0x0  }
0xb1: {  	[dreg:$0x5] =	wrdreg $0x9  }
0xb2: {  	_ =	task.clear_ibuf [dreg:s7], $0x6FFFF;
	_ =	strace $0x9000004C  }
0xb3: {  	s29 =	simm.s32 $0x9;
	_ =	strace $0x8000004E  }
0xb4: {  	_ =	swait.ge [sflag:s29], $0x1  }
0xb5: {  	[sflag:s29] =	ssyncadd.s32 $0xFFFFFFFF  }
0xb6: {  	_ =	strace $0x9000004E  }
0xb7: {  	_ =	sfence  }
0xb8: {  	s30 =	sld [smem:$0x0];
	_ =	sdelay $0x2  }
0xb9: {  	s31 =	sshll.u32 s1, $0xD;
	s1 =	sshrl.u32 s1, $0x2  }
0xba: {  	s3 =	sand.u32 $0x4000, s31;
	s1 =	sadd.s32 s1, s30  }
0xbb: {  	s0 =	sor.u32 s3, s0;
	s1 =	sshll.u32 s1, $0x11  }
0xbc: {  	s0 =	sor.u32 s1, s0  }
0xbd: {  	s0 =	sadd.s32 $0x8F2B, s0  }
0xbe: {  	[sflag:s0] =	ssyncadd.remote.s32 $0x1  }
0xbf: {  	_ =	sfence.sel $0xFFFF  }
0xc0: {  	[dreg:$0x0] =	wrdreg $0xFFFFFFFF;
	(pc) =	sbr.abs _section_cstart, $3  }
0xc1: {  	[dreg:$0x1] =	wrdreg $0xFFFFFFFF  }
0xc2: {  	_ =	task.clear_ibuf [dreg:s7], $0x2FFFF;
	_ =	strace $0x9FFFFFFF  }
0xc3: {  	(tm) =	ssettm $0x7FFFFFFF  }
tec
execute0_lowered:
.L_overlay_start_1:
0x0: {  	(tag) =	ssettag $0x1  }
0x1: {  	s1 =	rddreg [dreg:$0x0]  }
0x2: {  	s0 =	rddreg [dreg:$0x1]  }
0x3: {  	s2 =	rddreg [dreg:$0x2]  }
0x4: {  	s4 =	simm.s32 $0x0;
	s3 =	srdreg.scid;
	s14 =	stileid.u32  }
0x5: {  	s29 =	simm.s32 $0x14200;
	s30 =	simm.s32 $0x3;
	s31 =	simm.s32 $0x14000  }
0x6: {  	[smem:$0x7FF] =	sst s4;
	s3 =	sand.u32 $0x1, s3;
	s7 =	smul.u32 $0x50000, s14  }
0x7: {  	s5 =	sshll.u32 s14, $0x1;
	s8 =	sadd.s32 $0x1E00, s0;
	s11 =	smul.u32 $0x280, s14  }
0x8: {  	s10 =	sadd.s32 $0xBE00, s0;
	s0 =	sadd.s32 $0x15E00, s0;
	s14 =	smul.u32 $0x5000, s14  }
0x9: {  	s6 =	ssub.s32 $0x2, s3;
	s5 =	sor.u32 s3, s5;
	s3 =	smul.u32 $0x2800, s3  }
0xa: {  	_ =	strace $0x8000004D;
	s9 =	sshrl.u32 s6, $0x1;
	s5 =	smul.u32 $0x2800, s5  }
0xb: {  	s7 =	sshrl.u32 s7, $0x2;
	s13 =	sadd.s32 $0x80, s11;
	s16 =	sadd.s32 $0x100, s11  }
0xc: {  	s6 =	ssub.s32 s6, s9;
	s9 =	sadd.s32 s3, s11;
	s15 =	sadd.s32 s3, s13  }
0xd: {  	s21 =	sshrl.u32 s5, $0x3;
	s5 =	sadd.s32 s7, s2;
	s6 =	smax.u32 s6, $0x1  }
0xe: {  	s12 =	sshll.u32 s9, $0x4;
	s7 =	sshll.u32 s13, $0x7;
	s13 =	sadd.s32 $0x180, s11  }
0xf: {  	s11 =	sadd.s32 $0x200, s11;
	s9 =	simm.s32 $0x1;
	s22 =	sadd.s32 s8, s21  }
0x10: {  	s23 =	sadd.s32 s10, s21;
	[dreg:$0x6] =	wrdreg s6;
	s24 =	sadd.s32 $0x4F0, s21  }
0x11: {  	s26 =	sadd.s32 $0x4000, s5;
	s20 =	sadd.s32 s3, s13;
	[dreg:$0x4] =	wrdreg s22  }
0x12: {  	s21 =	sadd.s32 s3, s14;
	s28 =	sadd.s32 $0x10000, s5;
	[dreg:$0x5] =	wrdreg s23  }
0x13: {  	s25 =	sadd.s32 s8, s24;
	[dreg:$0x8] =	wrdreg s26;
	s6 =	sadd.s32 s10, s24  }
0x14: {  	s22 =	sor.u32 $0x100, s21;
	s24 =	sshll.u32 s16, $0x7;
	[dreg:$0x7] =	wrdreg s25  }
0x15: {  	s26 =	sshll.u32 s11, $0x7;
	[dreg:$0x9] =	wrdreg s6;
	s6 =	sadd.s32 s0, s12  }
0x16: {  	s12 =	sadd.s32 s3, s16;
	s3 =	sadd.s32 s3, s11;
	s25 =	sshll.u32 s13, $0x7  }
0x17: {  	s11 =	simm.s32 $0x0;
	[dreg:$0xa] =	wrdreg s6;
	s6 =	sshll.u32 s15, $0x4  }
0x18: {  	s12 =	sshll.u32 s12, $0x4;
	s3 =	sshll.u32 s3, $0x4;
	s6 =	sadd.s32 s0, s6  }
0x19: {  	s19 =	sadd.s32 s0, s12;
	s12 =	sor.u32 $0x80, s21;
	[dreg:$0xb] =	wrdreg s6  }
0x1a: {  	s21 =	sadd.s32 $0x8000, s5;
	[dreg:$0xc] =	wrdreg s19;
	s6 =	sshll.u32 s20, $0x4  }
0x1b: {  	s23 =	sshrl.u32 s12, $0x3;
	s6 =	sadd.s32 s0, s6;
	s0 =	sadd.s32 s0, s3  }
0x1c: {  	s19 =	sadd.s32 s23, s10;
	s20 =	sadd.s32 s23, s8;
	s23 =	sadd.s32 s24, s2  }
0x1d: {  	s24 =	sadd.s32 s25, s2;
	s25 =	sadd.s32 s26, s2;
	s26 =	sadd.s32 $0xC000, s5  }
0x1e: {  	s3 =	simm.s32 $0x80;
	[dreg:$0xd] =	wrdreg s6;
	s6 =	sshrl.u32 s22, $0x3  }
0x1f: {  	[dreg:$0xe] =	wrdreg s0;
	s22 =	sadd.s32 s7, s2;
	s0 =	simm.s32 $0x14080  }
0x20: {  	s7 =	simm.s32 $0x14180;
	s17 =	sadd.s32 s6, s10;
	s18 =	sadd.s32 s6, s8  }
0x21: {  	v0 =	vimm.f32 $0.0e+00;
	s6 =	simm.s32 $0x14100;
	s8 =	simm.s32 $0x18200;
	s10 =	simm.s32 $0x2  }
.LBB2_1:
0x22: {  	s12 =	simm.s32 $0x0;
	s13 =	simm.s32 $0x200  }
.LBB2_2:
0x23: {  	p0 =	sne.s32 s13, $0xFE00;
	[tilespmem:s12+$0x14270] =	vst v0  }
0x24: {  	[tilespmem:s12+$0x14200] =	vst v0  }
0x25: {  	[tilespmem:s12+$0x14210] =	vst v0  }
.Ltmp0:
0x26: {  	[tilespmem:s12+$0x14220] =	vst v0;
	(pc) =	sbr.rel @p0 .LBB2_2-.Ltmp0, $4  }
0x27: {  	[tilespmem:s12+$0x14230] =	vst v0  }
0x28: {  	[tilespmem:s12+$0x14240] =	vst v0  }
0x29: {  	[tilespmem:s12+$0x14250] =	vst v0  }
0x2a: {  	[tilespmem:s12+$0x14260] =	vst v0;
	s12 =	sshra.s32 s13, $0x2;
	s13 =	sadd.s32 $0x200, s13  }
0x2b: {  	[tilespmem:s12+$0x14270] =	vst v0  }
0x2c: {  	[tilespmem:s12+$0x14200] =	vst v0  }
0x2d: {  	[tilespmem:s12+$0x14210] =	vst v0  }
0x2e: {  	[tilespmem:s12+$0x14220] =	vst v0  }
0x2f: {  	[tilespmem:s12+$0x14230] =	vst v0  }
0x30: {  	[tilespmem:s12+$0x14240] =	vst v0  }
0x31: {  	[tilespmem:s12+$0x14250] =	vst v0  }
0x32: {  	[tilespmem:s12+$0x14260] =	vst v0  }
0x33: {  	[spmem:s5] =	stream.linear.scatter [tilespmem:s29], [sflag:$0x3], $0x4000, $0x38;
	[tilespmem:$0x1C200] =	vst v63  }
0x34: {  	_ =	swait.ge [sflag:s30], $0x4000  }
0x35: {  	[sflag:s30] =	ssyncset.done $0x0  }
0x36: {  	s14 =	rddreg [dreg:$0x8];
	[sflag:s30] =	ssyncadd.s32 $0xFFFFC000  }
0x37: {  	[spmem:s14] =	stream.linear.scatter [tilespmem:s29], [sflag:$0x3], $0x4000, $0x38;
	[tilespmem:$0x1C200] =	vst v63  }
0x38: {  	_ =	swait.ge [sflag:s30], $0x4000  }
0x39: {  	[sflag:s30] =	ssyncset.done $0x0  }
0x3a: {  	[sflag:s30] =	ssyncadd.s32 $0xFFFFC000  }
0x3b: {  	[spmem:s21] =	stream.linear.scatter [tilespmem:s29], [sflag:$0x3], $0x4000, $0x38;
	[tilespmem:$0x1C200] =	vst v63  }
0x3c: {  	_ =	swait.ge [sflag:s30], $0x4000  }
0x3d: {  	[sflag:s30] =	ssyncset.done $0x0  }
0x3e: {  	[sflag:s30] =	ssyncadd.s32 $0xFFFFC000  }
0x3f: {  	[spmem:s26] =	stream.linear.scatter [tilespmem:s29], [sflag:$0x3], $0x4000, $0x38;
	[tilespmem:$0x1C200] =	vst v63  }
0x40: {  	_ =	swait.ge [sflag:s30], $0x4000  }
0x41: {  	[sflag:s30] =	ssyncset.done $0x0  }
0x42: {  	[sflag:s30] =	ssyncadd.s32 $0xFFFFC000  }
0x43: {  	[spmem:s28] =	stream.linear.scatter [tilespmem:s29], [sflag:$0x3], $0x4000, $0x38;
	[tilespmem:$0x1C200] =	vst v63  }
0x44: {  	_ =	swait.ge [sflag:s30], $0x4000  }
0x45: {  	[sflag:s30] =	ssyncset.done $0x0  }
0x46: {  	[sflag:s30] =	ssyncadd.s32 $0xFFFFC000  }
0x47: {  	[bflag:$0x0] =	sbarrier.arrive $0xFFFF  }
0x48: {  	s15 =	simm.s32 $0x0;
	s13 =	rddreg [dreg:$0x4]  }
0x49: {  	[tilespmem:s31], [sflag:$0x3] =	stream.linear.gather [hbm4b:s13+s15], $0x80, $0x38;
	[tilespmem:$0x1C200] =	vst v63  }
0x4a: {  	_ =	swait.ge [sflag:s30], $0x80  }
0x4b: {  	[sflag:s30] =	ssyncset.done $0x0  }
0x4c: {  	s16 =	rddreg [dreg:$0x5];
	[sflag:s30] =	ssyncadd.s32 $0xFFFFFF80  }
0x4d: {  	[tilespmem:s0], [sflag:$0x3] =	stream.linear.gather [hbm4b:s16+s15], $0x80, $0x38;
	[tilespmem:$0x1C200] =	vst v63  }
0x4e: {  	_ =	swait.ge [sflag:s30], $0x80  }
0x4f: {  	[sflag:s30] =	ssyncset.done $0x0  }
0x50: {  	[sflag:s30] =	ssyncadd.s32 $0xFFFFFF80  }
0x51: {  	[tilespmem:s29], [sflag:$0x1] =	stream.indirect.gather [hbm4b:s1+s3], $0x80, s31, s3, $0xb8;
	[tilespmem:$0x1C200] =	vst v63  }
0x52: {  	s13 =	sadd.s32 $0x0, s20  }
0x53: {  	[tilespmem:s6], [sflag:$0x3] =	stream.linear.gather [hbm4b:s13+s4], $0x80, $0x38;
	[tilespmem:$0x1C200] =	vst v63  }
0x54: {  	_ =	swait.ge [sflag:s30], $0x80  }
0x55: {  	[sflag:s30] =	ssyncset.done $0x0  }
0x56: {  	s14 =	sadd.s32 $0x0, s19;
	[sflag:s30] =	ssyncadd.s32 $0xFFFFFF80  }
0x57: {  	[tilespmem:s7], [sflag:$0x3] =	stream.linear.gather [hbm4b:s14+s4], $0x80, $0x38;
	[tilespmem:$0x1C200] =	vst v63  }
0x58: {  	_ =	swait.ge [sflag:s30], $0x80  }
0x59: {  	[sflag:s30] =	ssyncset.done $0x0  }
0x5a: {  	[sflag:s30] =	ssyncadd.s32 $0xFFFFFF80  }
0x5b: {  	[tilespmem:s8], [sflag:$0x2] =	stream.indirect.gather [hbm4b:s1+s3], $0x80, s6, s3, $0xb8;
	[tilespmem:$0x1C200] =	vst v63  }
0x5c: {  	_ =	swait.ge [sflag:s9], $0x4000  }
0x5d: {  	[sflag:s9] =	ssyncset.done $0x0  }
0x5e: {  	[sflag:s9] =	ssyncadd.s32 $0xFFFFC000  }
0x5f: {  	[spmem:s2] =	stream.indirect.scatter.add.f32 [tilespmem:s29], [sflag:$0x3], $0x80, s0, s3, $0xb8;
	[tilespmem:$0x1C200] =	vst v63  }
0x60: {  	_ =	swait.ge [sflag:s30], $0x4000  }
0x61: {  	[sflag:s30] =	ssyncset.done $0x0  }
0x62: {  	s15 =	sadd.s32 $0x0, s18;
	[sflag:s30] =	ssyncadd.s32 $0xFFFFC000  }
0x63: {  	[tilespmem:s31], [sflag:$0x3] =	stream.linear.gather [hbm4b:s15+s4], $0x80, $0x38;
	[tilespmem:$0x1C200] =	vst v63  }
0x64: {  	_ =	swait.ge [sflag:s30], $0x80  }
0x65: {  	[sflag:s30] =	ssyncset.done $0x0  }
0x66: {  	s16 =	sadd.s32 $0x0, s17;
	[sflag:s30] =	ssyncadd.s32 $0xFFFFFF80  }
0x67: {  	[tilespmem:s0], [sflag:$0x3] =	stream.linear.gather [hbm4b:s16+s4], $0x80, $0x38;
	[tilespmem:$0x1C200] =	vst v63  }
0x68: {  	_ =	swait.ge [sflag:s30], $0x80  }
0x69: {  	[sflag:s30] =	ssyncset.done $0x0  }
0x6a: {  	[sflag:s30] =	ssyncadd.s32 $0xFFFFFF80  }
0x6b: {  	[tilespmem:s29], [sflag:$0x1] =	stream.indirect.gather [hbm4b:s1+s3], $0x80, s31, s3, $0xb8;
	[tilespmem:$0x1C200] =	vst v63  }
0x6c: {  	_ =	swait.ge [sflag:s10], $0x4000  }
0x6d: {  	[sflag:s10] =	ssyncset.done $0x0  }
0x6e: {  	[sflag:s10] =	ssyncadd.s32 $0xFFFFC000  }
0x6f: {  	[spmem:s2] =	stream.indirect.scatter.add.f32 [tilespmem:s8], [sflag:$0x3], $0x80, s7, s3, $0xb8;
	[tilespmem:$0x1C200] =	vst v63  }
0x70: {  	_ =	swait.ge [sflag:s30], $0x4000  }
0x71: {  	s12 =	simm.s32 $0x20;
	s13 =	simm.s32 $0x40;
	[sflag:s30] =	ssyncset.done $0x0  }
.LBB2_4:
0x72: {  	s15 =	sadd.s32 s12, s20  }
0x73: {  	[sflag:s30] =	ssyncadd.s32 $0xFFFFC000;
	s16 =	smov.u32 s13;
	s14 =	sadd.s32 $0x20, s13  }
0x74: {  	[tilespmem:s6], [sflag:$0x3] =	stream.linear.gather [hbm4b:s15+s4], $0x80, $0x38;
	[tilespmem:$0x1C200] =	vst v63  }
0x75: {  	p0 =	sne.s32 s13, $0x4C0;
	_ =	swait.ge [sflag:s30], $0x80  }
0x76: {  	[sflag:s30] =	ssyncset.done $0x0  }
0x77: {  	s13 =	sadd.s32 s12, s19;
	[sflag:s30] =	ssyncadd.s32 $0xFFFFFF80  }
0x78: {  	[tilespmem:s7], [sflag:$0x3] =	stream.linear.gather [hbm4b:s13+s4], $0x80, $0x38;
	[tilespmem:$0x1C200] =	vst v63  }
0x79: {  	_ =	swait.ge [sflag:s30], $0x80  }
0x7a: {  	[sflag:s30] =	ssyncset.done $0x0  }
0x7b: {  	[sflag:s30] =	ssyncadd.s32 $0xFFFFFF80  }
0x7c: {  	[tilespmem:s8], [sflag:$0x2] =	stream.indirect.gather [hbm4b:s1+s3], $0x80, s6, s3, $0xb8;
	[tilespmem:$0x1C200] =	vst v63  }
0x7d: {  	_ =	swait.ge [sflag:s9], $0x4000  }
0x7e: {  	[sflag:s9] =	ssyncset.done $0x0  }
0x7f: {  	[sflag:s9] =	ssyncadd.s32 $0xFFFFC000  }
0x80: {  	[spmem:s2] =	stream.indirect.scatter.add.f32 [tilespmem:s29], [sflag:$0x3], $0x80, s0, s3, $0xb8;
	[tilespmem:$0x1C200] =	vst v63  }
0x81: {  	_ =	swait.ge [sflag:s30], $0x4000  }
0x82: {  	[sflag:s30] =	ssyncset.done $0x0  }
0x83: {  	s13 =	sadd.s32 s12, s18;
	[sflag:s30] =	ssyncadd.s32 $0xFFFFC000  }
0x84: {  	[tilespmem:s31], [sflag:$0x3] =	stream.linear.gather [hbm4b:s13+s4], $0x80, $0x38;
	[tilespmem:$0x1C200] =	vst v63  }
0x85: {  	_ =	swait.ge [sflag:s30], $0x80  }
0x86: {  	[sflag:s30] =	ssyncset.done $0x0  }
0x87: {  	s13 =	sadd.s32 s12, s17;
	s12 =	smov.u32 s16;
	[sflag:s30] =	ssyncadd.s32 $0xFFFFFF80  }
0x88: {  	[tilespmem:s0], [sflag:$0x3] =	stream.linear.gather [hbm4b:s13+s4], $0x80, $0x38;
	[tilespmem:$0x1C200] =	vst v63  }
0x89: {  	_ =	swait.ge [sflag:s30], $0x80  }
0x8a: {  	[sflag:s30] =	ssyncset.done $0x0  }
0x8b: {  	[sflag:s30] =	ssyncadd.s32 $0xFFFFFF80  }
0x8c: {  	[tilespmem:s29], [sflag:$0x1] =	stream.indirect.gather [hbm4b:s1+s3], $0x80, s31, s3, $0xb8;
	[tilespmem:$0x1C200] =	vst v63  }
0x8d: {  	_ =	swait.ge [sflag:s10], $0x4000  }
.Ltmp1:
0x8e: {  	[sflag:s10] =	ssyncset.done $0x0;
	(pc) =	sbr.rel @p0 .LBB2_4-.Ltmp1, $4  }
0x8f: {  	[sflag:s10] =	ssyncadd.s32 $0xFFFFC000  }
0x90: {  	[spmem:s2] =	stream.indirect.scatter.add.f32 [tilespmem:s8], [sflag:$0x3], $0x80, s7, s3, $0xb8;
	[tilespmem:$0x1C200] =	vst v63  }
0x91: {  	_ =	swait.ge [sflag:s30], $0x4000  }
0x92: {  	s13 =	smov.u32 s14;
	[sflag:s30] =	ssyncset.done $0x0  }
0x93: {  	s13 =	sadd.s32 s12, s20;
	[sflag:s30] =	ssyncadd.s32 $0xFFFFC000  }
0x94: {  	[tilespmem:s6], [sflag:$0x3] =	stream.linear.gather [hbm4b:s13+s4], $0x80, $0x38;
	[tilespmem:$0x1C200] =	vst v63  }
0x95: {  	_ =	swait.ge [sflag:s30], $0x80  }
0x96: {  	[sflag:s30] =	ssyncset.done $0x0  }
0x97: {  	s14 =	sadd.s32 s12, s19;
	[sflag:s30] =	ssyncadd.s32 $0xFFFFFF80  }
0x98: {  	[tilespmem:s7], [sflag:$0x3] =	stream.linear.gather [hbm4b:s14+s4], $0x80, $0x38;
	[tilespmem:$0x1C200] =	vst v63  }
0x99: {  	_ =	swait.ge [sflag:s30], $0x80  }
0x9a: {  	[sflag:s30] =	ssyncset.done $0x0  }
0x9b: {  	[sflag:s30] =	ssyncadd.s32 $0xFFFFFF80  }
0x9c: {  	[tilespmem:s8], [sflag:$0x2] =	stream.indirect.gather [hbm4b:s1+s3], $0x80, s6, s3, $0xb8;
	[tilespmem:$0x1C200] =	vst v63  }
0x9d: {  	_ =	swait.ge [sflag:s9], $0x4000  }
0x9e: {  	[sflag:s9] =	ssyncset.done $0x0  }
0x9f: {  	[sflag:s9] =	ssyncadd.s32 $0xFFFFC000  }
0xa0: {  	[spmem:s2] =	stream.indirect.scatter.add.f32 [tilespmem:s29], [sflag:$0x3], $0x80, s0, s3, $0xb8;
	[tilespmem:$0x1C200] =	vst v63  }
0xa1: {  	_ =	swait.ge [sflag:s30], $0x4000  }
0xa2: {  	[sflag:s30] =	ssyncset.done $0x0  }
0xa3: {  	s15 =	sadd.s32 s12, s18;
	[sflag:s30] =	ssyncadd.s32 $0xFFFFC000  }
0xa4: {  	[tilespmem:s31], [sflag:$0x3] =	stream.linear.gather [hbm4b:s15+s4], $0x80, $0x38;
	[tilespmem:$0x1C200] =	vst v63  }
0xa5: {  	_ =	swait.ge [sflag:s30], $0x80  }
0xa6: {  	[sflag:s30] =	ssyncset.done $0x0  }
0xa7: {  	s16 =	sadd.s32 s12, s17;
	[sflag:s30] =	ssyncadd.s32 $0xFFFFFF80  }
0xa8: {  	[tilespmem:s0], [sflag:$0x3] =	stream.linear.gather [hbm4b:s16+s4], $0x80, $0x38;
	[tilespmem:$0x1C200] =	vst v63  }
0xa9: {  	_ =	swait.ge [sflag:s30], $0x80  }
0xaa: {  	[sflag:s30] =	ssyncset.done $0x0  }
0xab: {  	[sflag:s30] =	ssyncadd.s32 $0xFFFFFF80  }
0xac: {  	[tilespmem:s29], [sflag:$0x1] =	stream.indirect.gather [hbm4b:s1+s3], $0x80, s31, s3, $0xb8;
	[tilespmem:$0x1C200] =	vst v63  }
0xad: {  	_ =	swait.ge [sflag:s10], $0x4000  }
0xae: {  	[sflag:s10] =	ssyncset.done $0x0  }
0xaf: {  	[sflag:s10] =	ssyncadd.s32 $0xFFFFC000  }
0xb0: {  	[spmem:s2] =	stream.indirect.scatter.add.f32 [tilespmem:s8], [sflag:$0x3], $0x80, s7, s3, $0xb8;
	[tilespmem:$0x1C200] =	vst v63  }
0xb1: {  	_ =	swait.ge [sflag:s30], $0x4000  }
0xb2: {  	[sflag:s30] =	ssyncset.done $0x0  }
0xb3: {  	s13 =	rddreg [dreg:$0x7];
	[sflag:s30] =	ssyncadd.s32 $0xFFFFC000  }
0xb4: {  	[tilespmem:s6], [sflag:$0x3] =	stream.linear.gather [hbm4b:s13+s4], $0x80, $0x38;
	[tilespmem:$0x1C200] =	vst v63  }
0xb5: {  	_ =	swait.ge [sflag:s30], $0x80  }
0xb6: {  	[sflag:s30] =	ssyncset.done $0x0  }
0xb7: {  	s14 =	rddreg [dreg:$0x9];
	[sflag:s30] =	ssyncadd.s32 $0xFFFFFF80  }
0xb8: {  	[tilespmem:s7], [sflag:$0x3] =	stream.linear.gather [hbm4b:s14+s4], $0x80, $0x38;
	[tilespmem:$0x1C200] =	vst v63  }
0xb9: {  	_ =	swait.ge [sflag:s30], $0x80  }
0xba: {  	[sflag:s30] =	ssyncset.done $0x0  }
0xbb: {  	[sflag:s30] =	ssyncadd.s32 $0xFFFFFF80  }
0xbc: {  	[tilespmem:s8], [sflag:$0x2] =	stream.indirect.gather [hbm4b:s1+s3], $0x80, s6, s3, $0xb8;
	[tilespmem:$0x1C200] =	vst v63  }
0xbd: {  	_ =	swait.ge [sflag:s9], $0x4000  }
0xbe: {  	[sflag:s9] =	ssyncset.done $0x0  }
0xbf: {  	[sflag:s9] =	ssyncadd.s32 $0xFFFFC000  }
0xc0: {  	[spmem:s2] =	stream.indirect.scatter.add.f32 [tilespmem:s29], [sflag:$0x3], $0x80, s0, s3, $0xb8;
	[tilespmem:$0x1C200] =	vst v63  }
0xc1: {  	_ =	swait.ge [sflag:s30], $0x4000  }
0xc2: {  	[sflag:s30] =	ssyncset.done $0x0  }
0xc3: {  	[sflag:s30] =	ssyncadd.s32 $0xFFFFC000  }
0xc4: {  	_ =	swait.ge [sflag:s10], $0x4000  }
0xc5: {  	[sflag:s10] =	ssyncset.done $0x0  }
0xc6: {  	[sflag:s10] =	ssyncadd.s32 $0xFFFFC000  }
0xc7: {  	[spmem:s2] =	stream.indirect.scatter.add.f32 [tilespmem:s8], [sflag:$0x3], $0x80, s7, s3, $0xb8;
	[tilespmem:$0x1C200] =	vst v63  }
0xc8: {  	_ =	swait.ge [sflag:s30], $0x4000  }
0xc9: {  	[sflag:s30] =	ssyncset.done $0x0  }
0xca: {  	[sflag:s30] =	ssyncadd.s32 $0xFFFFC000  }
0xcb: {  	[bflag:$0x0] =	sbarrier.arrive $0xFFFF  }
0xcc: {  	[tilespmem:s29], [sflag:$0x3] =	stream.linear.gather [spmem:s5], $0x4000, $0x38;
	[tilespmem:$0x1C200] =	vst v63  }
0xcd: {  	_ =	swait.ge [sflag:s30], $0x4000  }
0xce: {  	[sflag:s30] =	ssyncset.done $0x0  }
0xcf: {  	s15 =	rddreg [dreg:$0xa];
	[sflag:s30] =	ssyncadd.s32 $0xFFFFC000  }
0xd0: {  	[hbm4b:s15+s4] =	stream.linear.scatter [tilespmem:s29], [sflag:$0x3], $0x4000, $0x38;
	[tilespmem:$0x1C200] =	vst v63  }
0xd1: {  	_ =	swait.ge [sflag:s30], $0x4000  }
0xd2: {  	[sflag:s30] =	ssyncset.done $0x0  }
0xd3: {  	[sflag:s30] =	ssyncadd.s32 $0xFFFFC000  }
0xd4: {  	[tilespmem:s29], [sflag:$0x3] =	stream.linear.gather [spmem:s22], $0x4000, $0x38;
	[tilespmem:$0x1C200] =	vst v63  }
0xd5: {  	_ =	swait.ge [sflag:s30], $0x4000  }
0xd6: {  	[sflag:s30] =	ssyncset.done $0x0  }
0xd7: {  	s16 =	rddreg [dreg:$0xb];
	[sflag:s30] =	ssyncadd.s32 $0xFFFFC000  }
0xd8: {  	[hbm4b:s16+s4] =	stream.linear.scatter [tilespmem:s29], [sflag:$0x3], $0x4000, $0x38;
	[tilespmem:$0x1C200] =	vst v63  }
0xd9: {  	_ =	swait.ge [sflag:s30], $0x4000  }
0xda: {  	[sflag:s30] =	ssyncset.done $0x0  }
0xdb: {  	[sflag:s30] =	ssyncadd.s32 $0xFFFFC000  }
0xdc: {  	[tilespmem:s29], [sflag:$0x3] =	stream.linear.gather [spmem:s23], $0x4000, $0x38;
	[tilespmem:$0x1C200] =	vst v63  }
0xdd: {  	_ =	swait.ge [sflag:s30], $0x4000  }
0xde: {  	[sflag:s30] =	ssyncset.done $0x0  }
0xdf: {  	s13 =	rddreg [dreg:$0xc];
	[sflag:s30] =	ssyncadd.s32 $0xFFFFC000  }
0xe0: {  	[hbm4b:s13+s4] =	stream.linear.scatter [tilespmem:s29], [sflag:$0x3], $0x4000, $0x38;
	[tilespmem:$0x1C200] =	vst v63  }
0xe1: {  	_ =	swait.ge [sflag:s30], $0x4000  }
0xe2: {  	[sflag:s30] =	ssyncset.done $0x0  }
0xe3: {  	[sflag:s30] =	ssyncadd.s32 $0xFFFFC000  }
0xe4: {  	[tilespmem:s29], [sflag:$0x3] =	stream.linear.gather [spmem:s24], $0x4000, $0x38;
	[tilespmem:$0x1C200] =	vst v63  }
0xe5: {  	_ =	swait.ge [sflag:s30], $0x4000  }
0xe6: {  	[sflag:s30] =	ssyncset.done $0x0  }
0xe7: {  	s14 =	rddreg [dreg:$0xd];
	[sflag:s30] =	ssyncadd.s32 $0xFFFFC000  }
0xe8: {  	[hbm4b:s14+s4] =	stream.linear.scatter [tilespmem:s29], [sflag:$0x3], $0x4000, $0x38;
	[tilespmem:$0x1C200] =	vst v63  }
0xe9: {  	_ =	swait.ge [sflag:s30], $0x4000  }
0xea: {  	[sflag:s30] =	ssyncset.done $0x0  }
0xeb: {  	[sflag:s30] =	ssyncadd.s32 $0xFFFFC000  }
0xec: {  	[tilespmem:s29], [sflag:$0x3] =	stream.linear.gather [spmem:s25], $0x4000, $0x38;
	[tilespmem:$0x1C200] =	vst v63  }
0xed: {  	_ =	swait.ge [sflag:s30], $0x4000  }
0xee: {  	[sflag:s30] =	ssyncset.done $0x0  }
0xef: {  	s15 =	rddreg [dreg:$0xe];
	[sflag:s30] =	ssyncadd.s32 $0xFFFFC000  }
0xf0: {  	[hbm4b:s15+s4] =	stream.linear.scatter [tilespmem:s29], [sflag:$0x3], $0x4000, $0x38;
	[tilespmem:$0x1C200] =	vst v63  }
0xf1: {  	_ =	swait.ge [sflag:s30], $0x4000  }
0xf2: {  	s11 =	sadd.s32 $0x1, s11;
	s16 =	rddreg [dreg:$0x6]  }
0xf3: {  	p0 =	sne.s32 s11, s16  }
.Ltmp2:
0xf4: {  	_ = 	snop;
	(pc) =	sbr.rel @p0 .LBB2_1-.Ltmp2, $3  }
0xf5: {  	_ =	sdelay $0x1  }
0xf6: {  	[sflag:s30] =	ssyncset.done $0x0  }
0xf7: {  	[sflag:s30] =	ssyncadd.s32 $0xFFFFC000  }
0xf8: {  	_ =	sfence.sel $0x180000  }
0xf9: {  	[bflag:$0x0] =	sbarrier.arrive $0xFFFF  }
0xfa: {  	_ =	strace $0x9000004D  }
0xfb: {  	s0 =	stileid.u32;
	[bflag:$0x2] =	sbarrier.arrive $0xFFFF  }
0xfc: {  	p0 =	sne.s32 s0, $0x0;
	s0 =	rddreg [dreg:$0x3]  }
0xfd: {  	s0 =	sadd.s32 @!p0 $0x100000, s0  }
0xfe: {  	[sflag:s0] =	ssyncadd.tile.s32 @!p0 $0x1;
	_ =	shalt  }
.Lfunc_end2:
_tile_overlayer_lowered:
.L_overlay_start_2:
0xff: {  	(tag) =	ssettag $0x2  }
0x100: {  	s0 =	rddreg [dreg:$0x0];
	s2 =	stileid.u32  }
0x101: {  	s1 =	rddreg [dreg:$0x1];
	p0 =	sne.s32 s2, $0x0  }
0x102: {  	s3 =	rddreg [dreg:$0x2];
	[bflag:$0x3] =	sbarrier.arrive $0xFFFF;
	s2 =	simm.s32 @!p0 $0x1C03  }
0x103: {  	[timem:s3], [sflag:s2] =	dma.local @!p0 [hbm:s0], s1  }
0x104: {  	s0 =	simm.s32 @!p0 $0x3  }
0x105: {  	_ =	swait.ge @!p0 [sflag:s0], s1  }
0x106: {  	s1 =	ssub.s32 @!p0 $0x0, s1;
	[sflag:s0] =	ssyncset.done @!p0 $0x0  }
0x107: {  	[sflag:s0] =	ssyncadd.s32 @!p0 s1  }
0x108: {  	[bflag:$0x3] =	sbarrier.arrive $0xFFFF  }
0x109: {  	_ =	shalt  }

// kernel: kernel.8.cloned.1.call-start
scs
__scs_entry_jumppad:
0x0: {  	(pc) =	sbr.rel $0x88, $3  }
0x1: {  	(tag) =	ssettag $0x0;
	lr =	simm.s32 $0x1  }
0x2: {  	[smem:$0x3F99] =	sst lr;
	_ =	strace $0xD0000000  }
0x3: {  	_ = 	snop  }
0x4: {  	_ = 	snop  }
0x5: {  	_ = 	snop  }
0x6: {  	_ = 	snop  }
0x7: {  	_ = 	snop  }
__scs_overlays_trampoline_lowered:
0x8: {  	[smem:$0x3FA8] =	sst s0  }
0x9: {  	[smem:$0x3FA9] =	sst s1  }
0xa: {  	[smem:$0x3FAA] =	sst s2  }
0xb: {  	[smem:$0x3FAB] =	sst s3  }
0xc: {  	[smem:$0x3FAC] =	sst s4  }
0xd: {  	[smem:$0x3FAD] =	sst s5  }
0xe: {  	[smem:$0x3FAE] =	sst s6  }
0xf: {  	[smem:$0x3FAF] =	sst s7  }
0x10: {  	[smem:$0x3FB0] =	sst s8  }
0x11: {  	[smem:$0x3FB1] =	sst s9;
	s0 =	simm.s32 @!p0 $0x0  }
0x12: {  	s1 =	sld [smem:$0x3F97];
	s0 =	simm.s32 @p0 $0x1  }
0x13: {  	[smem:$0x3FB2] =	sst s0;
	s0 =	simm.s32 @!p1 $0x0  }
0x14: {  	s2 =	sld [smem:$0x3F96];
	s0 =	simm.s32 @p1 $0x1  }
0x15: {  	[smem:$0x3FB3] =	sst s0;
	s0 =	simm.s32 @!p2 $0x0  }
0x16: {  	s3 =	sld [smem:$0x3FDB];
	s0 =	simm.s32 @p2 $0x1  }
0x17: {  	s4 =	simm.s32 $0x1BF5;
	[smem:$0x3FB5] =	sst s0  }
0x18: {  	s0 =	sld [smem:$0x3F98];
	_ =	swait.ge [sflag:s4], $0x0  }
0x19: {  	s7 =	sld [smem:$0x3F99]  }
0x1a: {  	s8 =	sadd.s32 $0xFFFFE003, lr  }
0x1b: {  	s9 =	sadd.s32 $0xFFFFFEF7, lr;
	s5 =	simm.s32 $0xFFFFFFFF;
	p2 =	slt.u32 s8, $0xFFFFF086  }
0x1c: {  	p1 =	slt.u32 s9, $0xF7A;
	s5 =	simm.s32 @!p2 $0x0  }
0x1d: {  	s5 =	simm.s32 @p1 $0x1;
	p0 =	seq.s32 s7, s2  }
0x1e: {  	s7 =	smul.u32 @!p0 $0xF7A, s2;
	p2 =	seq.s32 @!p0 s5, $0x0  }
0x1f: {  	s9 =	smul.u32 $0xF7A, s1;
	s8 =	simm.s32 @!p0 $0x1BF5;
	p2 =	por !p2, p0  }
0x20: {  	[sflag:s8] =	ssyncset.s32 @!p0 $0xFFFFF086;
	s6 =	sadd.s32 @!p0 s3, s7;
	s7 =	simm.s32 @!p0 $0x108  }
0x21: {  	s3 =	sadd.s32 s3, s9;
	s6 =	sadd.s32 @!p0 $0x88, s6;
	s7 =	simm.s32 @p2 $0x1082  }
0x22: {  	[simem:s7], [sflag:s8] =	dma.local @!p0 [hbm:s6], $0xF7A  }
0x23: {  	s9 =	sor.u32 $0xD0000000, s2;
	s6 =	simm.s32 $0x108;
	_ =	swait.ge @!p0 [sflag:s8], $0x0  }
0x24: {  	s3 =	sadd.s32 $0x88, s3;
	s6 =	simm.s32 @!p1 $0x1082;
	[sflag:s4] =	ssyncset.s32 $0xFFFFF086  }
0x25: {  	[simem:s6], [sflag:s4] =	dma.local [hbm:s3], $0xF7A  }
0x26: {  	[smem:$0x3F99] =	sst s1;
	(tag) =	ssettag s2;
	_ =	strace s9  }
0x27: {  	s1 =	sld [smem:$0x3FA9]  }
0x28: {  	s2 =	sld [smem:$0x3FAA]  }
0x29: {  	s4 =	sld [smem:$0x3FAC]  }
0x2a: {  	p0 =	seq.s32 s5, $0x0;
	s5 =	sld [smem:$0x3FAD]  }
0x2b: {  	s6 =	sld [smem:$0x3FAE]  }
0x2c: {  	s7 =	sld [smem:$0x3FAF]  }
0x2d: {  	s3 =	simm.s32 $0x108;
	s8 =	sld [smem:$0x3FB0]  }
0x2e: {  	s3 =	simm.s32 @!p0 $0x1082;
	s9 =	sld [smem:$0x3FB1]  }
0x2f: {  	lr =	sadd.s32 s0, s3;
	s0 =	sld [smem:$0x3FA8]  }
0x30: {  	s3 =	sld [smem:$0x3FAB]  }
0x31: {  	[smem:$0x3FB4] =	sst s10  }
0x32: {  	s10 =	sld [smem:$0x3FB2];
	_ =	sdelay $0x3  }
0x33: {  	p0 =	seq.s32 s10, $0x1;
	s10 =	sld [smem:$0x3FB4];
	_ =	sdelay $0x3  }
0x34: {  	[smem:$0x3FB4] =	sst s10  }
0x35: {  	s10 =	sld [smem:$0x3FB3];
	_ =	sdelay $0x3  }
0x36: {  	p1 =	seq.s32 s10, $0x1;
	s10 =	sld [smem:$0x3FB4];
	_ =	sdelay $0x3  }
0x37: {  	[smem:$0x3FB4] =	sst s10  }
0x38: {  	s10 =	sld [smem:$0x3FB5]  }
0x39: {  	_ = 	snop;
	(pc) =	sbr.ind lr, $3  }
0x3a: {  	_ = 	snop  }
0x3b: {  	_ = 	snop  }
0x3c: {  	p2 =	seq.s32 s10, $0x1;
	s10 =	sld [smem:$0x3FB4]  }
0x3d: {  	_ =	shalt  }
0x3e: {  	_ =	shalt  }
0x3f: {  	_ =	shalt  }
0x40: {  	_ =	shalt  }
0x41: {  	_ =	shalt  }
0x42: {  	_ =	shalt  }
0x43: {  	_ =	shalt  }
0x44: {  	_ =	shalt  }
0x45: {  	_ =	shalt  }
0x46: {  	_ =	shalt  }
0x47: {  	_ =	shalt  }
0x48: {  	_ =	shalt  }
0x49: {  	_ =	shalt  }
0x4a: {  	_ =	shalt  }
0x4b: {  	_ =	shalt  }
0x4c: {  	_ =	shalt  }
0x4d: {  	_ =	shalt  }
0x4e: {  	_ =	shalt  }
0x4f: {  	_ =	shalt  }
0x50: {  	_ =	shalt  }
0x51: {  	_ =	shalt  }
0x52: {  	_ =	shalt  }
0x53: {  	_ =	shalt  }
0x54: {  	_ =	shalt  }
0x55: {  	_ =	shalt  }
0x56: {  	_ =	shalt  }
0x57: {  	_ =	shalt  }
0x58: {  	_ =	shalt  }
0x59: {  	_ =	shalt  }
0x5a: {  	_ =	shalt  }
0x5b: {  	_ =	shalt  }
0x5c: {  	_ =	shalt  }
0x5d: {  	_ =	shalt  }
0x5e: {  	_ =	shalt  }
0x5f: {  	_ =	shalt  }
0x60: {  	_ =	shalt  }
0x61: {  	_ =	shalt  }
0x62: {  	_ =	shalt  }
0x63: {  	_ =	shalt  }
0x64: {  	_ =	shalt  }
0x65: {  	_ =	shalt  }
0x66: {  	_ =	shalt  }
0x67: {  	_ =	shalt  }
0x68: {  	_ =	shalt  }
0x69: {  	_ =	shalt  }
0x6a: {  	_ =	shalt  }
0x6b: {  	_ =	shalt  }
0x6c: {  	_ =	shalt  }
0x6d: {  	_ =	shalt  }
0x6e: {  	_ =	shalt  }
0x6f: {  	_ =	shalt  }
0x70: {  	_ =	shalt  }
0x71: {  	_ =	shalt  }
0x72: {  	_ =	shalt  }
0x73: {  	_ =	shalt  }
0x74: {  	_ =	shalt  }
0x75: {  	_ =	shalt  }
0x76: {  	_ =	shalt  }
0x77: {  	_ =	shalt  }
0x78: {  	_ =	shalt  }
0x79: {  	_ =	shalt  }
0x7a: {  	_ =	shalt  }
0x7b: {  	_ =	shalt  }
0x7c: {  	_ =	shalt  }
0x7d: {  	_ =	shalt  }
0x7e: {  	_ =	shalt  }
0x7f: {  	_ =	shalt  }
0x80: {  	_ =	shalt  }
0x81: {  	_ =	shalt  }
0x82: {  	_ =	shalt  }
0x83: {  	_ =	shalt  }
0x84: {  	_ =	shalt  }
0x85: {  	_ =	shalt  }
0x86: {  	_ =	shalt  }
0x87: {  	_ =	shalt  }
.Lfunc_end0:
.L_simem_size_0:
called_computation_lowered:
.L_overlay_start_0:
0x88: {  	s2 =	sld [smem:$0x3FD9]  }
0x89: {  	s3 =	sld [smem:$0x3FFE];
	_ =	sdelay $0x1  }
0x8a: {  	s1 =	srdreg.scid  }
0x8b: {  	s0 =	sand.u32 $0x1, s1  }
0x8c: {  	s17 =	sshll.u32 s0, $0xA;
	s2 =	sadd.s32 s3, s2  }
0x8d: {  	s2 =	sadd.s32 s2, s17  }
0x8e: {  	[smem:$0x3FC0] =	sst s2  }
0x8f: {  	_ = 	snop  }
0x90: {  	s2 =	sld [smem:$0x3FD0];
	(tm) =	ssettm $0x1  }
0x91: {  	s18 =	sld [smem:$0x3FFB];
	_ =	sdelay $0x3  }
0x92: {  	_ =	strace s18  }
0x93: {  	s3 =	sld [smem:$0x3FFC];
	_ =	sdelay $0x3  }
0x94: {  	_ =	strace s3  }
0x95: {  	s3 =	sld [smem:$0x3FFD];
	_ =	sdelay $0x3  }
0x96: {  	_ =	strace s3  }
0x97: {  	_ =	strace $0x8FFFFFFF  }
0x98: {  	s19 =	sld [smem:$0x3FDB];
	_ =	sdelay $0x1  }
0x99: {  	s4 =	simm.s32 $_scs_section_size  }
0x9a: {  	s5 =	simm.s32 $_size__tile_overlayer_lowered;
	s6 =	simm.s32 $_tile_overlayer_lowered  }
0x9b: {  	s22 =	simm.s32 $0x1BFF;
	s21 =	sshll.u32 s6, $0x1;
	s3 =	sadd.s32 s4, s19  }
0x9c: {  	s7 =	simm.s32 $0x0;
	s20 =	sshll.u32 s5, $0x1;
	s5 =	sadd.s32 s21, s3  }
0x9d: {  	[timem:s7], [sflag:s22] =	dma.local [hbm:s5], s20  }
0x9e: {  	_ =	swait.ge [sflag:s22], s20  }
0x9f: {  	s4 =	ssub.s32 $0x0, s20;
	[sflag:s22] =	ssyncset.done $0x0  }
0xa0: {  	[sflag:s22] =	ssyncadd.s32 s4;
	_ =	sdelay $0x1  }
0xa1: {  	s23 =	simm.s32 $0x1B8B  }
0xa2: {  	_ =	swait.ge [sflag:s23], $0x1  }
0xa3: {  	[sflag:s23] =	ssyncset.done $0x0  }
0xa4: {  	s25 =	simm.s32 $0x1B8E;
	s24 =	sld [smem:$0x3FFE];
	[sflag:s23] =	ssyncadd.s32 $0xFFFFFFFF  }
0xa5: {  	s26 =	simm.s32 $execute0_lowered;
	[smem:$0x3FD2] =	sst s25  }
0xa6: {  	s5 =	sshll.u32 s26, $0x1;
	_ =	strace $0x80000046;
	[dreg:$0x1] =	wrdreg $0xFFFFFFFF  }
0xa7: {  	s28 =	simm.s32 $_size_execute0_lowered;
	s3 =	sadd.s32 s3, s5;
	[dreg:$0x0] =	wrdreg $0x0  }
0xa8: {  	s5 =	sshll.u32 s28, $0x1;
	[dreg:$0x2] =	wrdreg s3  }
0xa9: {  	[dreg:$0x3] =	wrdreg s5  }
0xaa: {  	[dreg:$0x4] =	wrdreg $0xC0  }
0xab: {  	_ =	task [dreg:s7], $0x5FFFF  }
0xac: {  	[dreg:$0x1] =	wrdreg $0xFFFFFFFF  }
0xad: {  	[dreg:$0x0] =	wrdreg $0x60  }
0xae: {  	[dreg:$0x2] =	wrdreg s2  }
0xaf: {  	[dreg:$0x3] =	wrdreg s24  }
0xb0: {  	[dreg:$0x4] =	wrdreg $0x0  }
0xb1: {  	[dreg:$0x5] =	wrdreg $0x9  }
0xb2: {  	_ =	task.clear_ibuf [dreg:s7], $0x6FFFF;
	_ =	strace $0x90000046  }
0xb3: {  	s29 =	simm.s32 $0x9;
	_ =	strace $0x80000048  }
0xb4: {  	_ =	swait.ge [sflag:s29], $0x1  }
0xb5: {  	[sflag:s29] =	ssyncadd.s32 $0xFFFFFFFF  }
0xb6: {  	_ =	strace $0x90000048  }
0xb7: {  	_ =	sfence  }
0xb8: {  	s30 =	sld [smem:$0x0];
	_ =	sdelay $0x2  }
0xb9: {  	s31 =	sshll.u32 s1, $0xD;
	s1 =	sshrl.u32 s1, $0x2  }
0xba: {  	s3 =	sand.u32 $0x4000, s31;
	s1 =	sadd.s32 s1, s30  }
0xbb: {  	s0 =	sor.u32 s3, s0;
	s1 =	sshll.u32 s1, $0x11  }
0xbc: {  	s0 =	sor.u32 s1, s0  }
0xbd: {  	s0 =	sadd.s32 $0x8F2B, s0  }
0xbe: {  	[sflag:s0] =	ssyncadd.remote.s32 $0x1  }
0xbf: {  	_ =	sfence.sel $0xFFFF  }
0xc0: {  	[dreg:$0x0] =	wrdreg $0xFFFFFFFF;
	(pc) =	sbr.abs _section_cstart, $3  }
0xc1: {  	[dreg:$0x1] =	wrdreg $0xFFFFFFFF  }
0xc2: {  	_ =	task.clear_ibuf [dreg:s7], $0x2FFFF;
	_ =	strace $0x9FFFFFFF  }
0xc3: {  	(tm) =	ssettm $0x7FFFFFFF  }
tec
execute0_lowered:
.L_overlay_start_1:
0x0: {  	(tag) =	ssettag $0x1  }
0x1: {  	s1 =	rddreg [dreg:$0x0]  }
0x2: {  	s0 =	rddreg [dreg:$0x1]  }
0x3: {  	s2 =	rddreg [dreg:$0x2]  }
0x4: {  	s4 =	simm.s32 $0x0;
	s3 =	srdreg.scid;
	s14 =	stileid.u32  }
0x5: {  	s29 =	simm.s32 $0x14200;
	s30 =	simm.s32 $0x3;
	s31 =	simm.s32 $0x14000  }
0x6: {  	[smem:$0x7FF] =	sst s4;
	s3 =	sand.u32 $0x1, s3;
	s7 =	smul.u32 $0x50000, s14  }
0x7: {  	s5 =	sshll.u32 s14, $0x1;
	s8 =	sadd.s32 $0x1E00, s0;
	s11 =	smul.u32 $0x280, s14  }
0x8: {  	s10 =	sadd.s32 $0xBE00, s0;
	s0 =	sadd.s32 $0x15E00, s0;
	s14 =	smul.u32 $0x5000, s14  }
0x9: {  	s6 =	ssub.s32 $0x2, s3;
	s5 =	sor.u32 s3, s5;
	s3 =	smul.u32 $0x2800, s3  }
0xa: {  	_ =	strace $0x80000047;
	s9 =	sshrl.u32 s6, $0x1;
	s5 =	smul.u32 $0x2800, s5  }
0xb: {  	s7 =	sshrl.u32 s7, $0x2;
	s13 =	sadd.s32 $0x80, s11;
	s16 =	sadd.s32 $0x100, s11  }
0xc: {  	s6 =	ssub.s32 s6, s9;
	s9 =	sadd.s32 s3, s11;
	s15 =	sadd.s32 s3, s13  }
0xd: {  	s21 =	sshrl.u32 s5, $0x3;
	s5 =	sadd.s32 s7, s2;
	s6 =	smax.u32 s6, $0x1  }
0xe: {  	s12 =	sshll.u32 s9, $0x4;
	s7 =	sshll.u32 s13, $0x7;
	s13 =	sadd.s32 $0x180, s11  }
0xf: {  	s11 =	sadd.s32 $0x200, s11;
	s9 =	simm.s32 $0x1;
	s22 =	sadd.s32 s8, s21  }
0x10: {  	s23 =	sadd.s32 s10, s21;
	[dreg:$0x6] =	wrdreg s6;
	s24 =	sadd.s32 $0x4F0, s21  }
0x11: {  	s26 =	sadd.s32 $0x4000, s5;
	s20 =	sadd.s32 s3, s13;
	[dreg:$0x4] =	wrdreg s22  }
0x12: {  	s21 =	sadd.s32 s3, s14;
	s28 =	sadd.s32 $0x10000, s5;
	[dreg:$0x5] =	wrdreg s23  }
0x13: {  	s25 =	sadd.s32 s8, s24;
	[dreg:$0x8] =	wrdreg s26;
	s6 =	sadd.s32 s10, s24  }
0x14: {  	s22 =	sor.u32 $0x100, s21;
	s24 =	sshll.u32 s16, $0x7;
	[dreg:$0x7] =	wrdreg s25  }
0x15: {  	s26 =	sshll.u32 s11, $0x7;
	[dreg:$0x9] =	wrdreg s6;
	s6 =	sadd.s32 s0, s12  }
0x16: {  	s12 =	sadd.s32 s3, s16;
	s3 =	sadd.s32 s3, s11;
	s25 =	sshll.u32 s13, $0x7  }
0x17: {  	s11 =	simm.s32 $0x0;
	[dreg:$0xa] =	wrdreg s6;
	s6 =	sshll.u32 s15, $0x4  }
0x18: {  	s12 =	sshll.u32 s12, $0x4;
	s3 =	sshll.u32 s3, $0x4;
	s6 =	sadd.s32 s0, s6  }
0x19: {  	s19 =	sadd.s32 s0, s12;
	s12 =	sor.u32 $0x80, s21;
	[dreg:$0xb] =	wrdreg s6  }
0x1a: {  	s21 =	sadd.s32 $0x8000, s5;
	[dreg:$0xc] =	wrdreg s19;
	s6 =	sshll.u32 s20, $0x4  }
0x1b: {  	s23 =	sshrl.u32 s12, $0x3;
	s6 =	sadd.s32 s0, s6;
	s0 =	sadd.s32 s0, s3  }
0x1c: {  	s19 =	sadd.s32 s23, s10;
	s20 =	sadd.s32 s23, s8;
	s23 =	sadd.s32 s24, s2  }
0x1d: {  	s24 =	sadd.s32 s25, s2;
	s25 =	sadd.s32 s26, s2;
	s26 =	sadd.s32 $0xC000, s5  }
0x1e: {  	s3 =	simm.s32 $0x80;
	[dreg:$0xd] =	wrdreg s6;
	s6 =	sshrl.u32 s22, $0x3  }
0x1f: {  	[dreg:$0xe] =	wrdreg s0;
	s22 =	sadd.s32 s7, s2;
	s0 =	simm.s32 $0x14080  }
0x20: {  	s7 =	simm.s32 $0x14180;
	s17 =	sadd.s32 s6, s10;
	s18 =	sadd.s32 s6, s8  }
0x21: {  	v0 =	vimm.f32 $0.0e+00;
	s6 =	simm.s32 $0x14100;
	s8 =	simm.s32 $0x18200;
	s10 =	simm.s32 $0x2  }
.LBB2_1:
0x22: {  	s12 =	simm.s32 $0x0;
	s13 =	simm.s32 $0x200  }
.LBB2_2:
0x23: {  	p0 =	sne.s32 s13, $0xFE00;
	[tilespmem:s12+$0x14270] =	vst v0  }
0x24: {  	[tilespmem:s12+$0x14200] =	vst v0  }
0x25: {  	[tilespmem:s12+$0x14210] =	vst v0  }
.Ltmp0:
0x26: {  	[tilespmem:s12+$0x14220] =	vst v0;
	(pc) =	sbr.rel @p0 .LBB2_2-.Ltmp0, $4  }
0x27: {  	[tilespmem:s12+$0x14230] =	vst v0  }
0x28: {  	[tilespmem:s12+$0x14240] =	vst v0  }
0x29: {  	[tilespmem:s12+$0x14250] =	vst v0  }
0x2a: {  	[tilespmem:s12+$0x14260] =	vst v0;
	s12 =	sshra.s32 s13, $0x2;
	s13 =	sadd.s32 $0x200, s13  }
0x2b: {  	[tilespmem:s12+$0x14270] =	vst v0  }
0x2c: {  	[tilespmem:s12+$0x14200] =	vst v0  }
0x2d: {  	[tilespmem:s12+$0x14210] =	vst v0  }
0x2e: {  	[tilespmem:s12+$0x14220] =	vst v0  }
0x2f: {  	[tilespmem:s12+$0x14230] =	vst v0  }
0x30: {  	[tilespmem:s12+$0x14240] =	vst v0  }
0x31: {  	[tilespmem:s12+$0x14250] =	vst v0  }
0x32: {  	[tilespmem:s12+$0x14260] =	vst v0  }
0x33: {  	[spmem:s5] =	stream.linear.scatter [tilespmem:s29], [sflag:$0x3], $0x4000, $0x38;
	[tilespmem:$0x1C200] =	vst v63  }
0x34: {  	_ =	swait.ge [sflag:s30], $0x4000  }
0x35: {  	[sflag:s30] =	ssyncset.done $0x0  }
0x36: {  	s14 =	rddreg [dreg:$0x8];
	[sflag:s30] =	ssyncadd.s32 $0xFFFFC000  }
0x37: {  	[spmem:s14] =	stream.linear.scatter [tilespmem:s29], [sflag:$0x3], $0x4000, $0x38;
	[tilespmem:$0x1C200] =	vst v63  }
0x38: {  	_ =	swait.ge [sflag:s30], $0x4000  }
0x39: {  	[sflag:s30] =	ssyncset.done $0x0  }
0x3a: {  	[sflag:s30] =	ssyncadd.s32 $0xFFFFC000  }
0x3b: {  	[spmem:s21] =	stream.linear.scatter [tilespmem:s29], [sflag:$0x3], $0x4000, $0x38;
	[tilespmem:$0x1C200] =	vst v63  }
0x3c: {  	_ =	swait.ge [sflag:s30], $0x4000  }
0x3d: {  	[sflag:s30] =	ssyncset.done $0x0  }
0x3e: {  	[sflag:s30] =	ssyncadd.s32 $0xFFFFC000  }
0x3f: {  	[spmem:s26] =	stream.linear.scatter [tilespmem:s29], [sflag:$0x3], $0x4000, $0x38;
	[tilespmem:$0x1C200] =	vst v63  }
0x40: {  	_ =	swait.ge [sflag:s30], $0x4000  }
0x41: {  	[sflag:s30] =	ssyncset.done $0x0  }
0x42: {  	[sflag:s30] =	ssyncadd.s32 $0xFFFFC000  }
0x43: {  	[spmem:s28] =	stream.linear.scatter [tilespmem:s29], [sflag:$0x3], $0x4000, $0x38;
	[tilespmem:$0x1C200] =	vst v63  }
0x44: {  	_ =	swait.ge [sflag:s30], $0x4000  }
0x45: {  	[sflag:s30] =	ssyncset.done $0x0  }
0x46: {  	[sflag:s30] =	ssyncadd.s32 $0xFFFFC000  }
0x47: {  	[bflag:$0x0] =	sbarrier.arrive $0xFFFF  }
0x48: {  	s15 =	simm.s32 $0x0;
	s13 =	rddreg [dreg:$0x4]  }
0x49: {  	[tilespmem:s31], [sflag:$0x3] =	stream.linear.gather [hbm4b:s13+s15], $0x80, $0x38;
	[tilespmem:$0x1C200] =	vst v63  }
0x4a: {  	_ =	swait.ge [sflag:s30], $0x80  }
0x4b: {  	[sflag:s30] =	ssyncset.done $0x0  }
0x4c: {  	s16 =	rddreg [dreg:$0x5];
	[sflag:s30] =	ssyncadd.s32 $0xFFFFFF80  }
0x4d: {  	[tilespmem:s0], [sflag:$0x3] =	stream.linear.gather [hbm4b:s16+s15], $0x80, $0x38;
	[tilespmem:$0x1C200] =	vst v63  }
0x4e: {  	_ =	swait.ge [sflag:s30], $0x80  }
0x4f: {  	[sflag:s30] =	ssyncset.done $0x0  }
0x50: {  	[sflag:s30] =	ssyncadd.s32 $0xFFFFFF80  }
0x51: {  	[tilespmem:s29], [sflag:$0x1] =	stream.indirect.gather [hbm4b:s1+s3], $0x80, s31, s3, $0xb8;
	[tilespmem:$0x1C200] =	vst v63  }
0x52: {  	s13 =	sadd.s32 $0x0, s20  }
0x53: {  	[tilespmem:s6], [sflag:$0x3] =	stream.linear.gather [hbm4b:s13+s4], $0x80, $0x38;
	[tilespmem:$0x1C200] =	vst v63  }
0x54: {  	_ =	swait.ge [sflag:s30], $0x80  }
0x55: {  	[sflag:s30] =	ssyncset.done $0x0  }
0x56: {  	s14 =	sadd.s32 $0x0, s19;
	[sflag:s30] =	ssyncadd.s32 $0xFFFFFF80  }
0x57: {  	[tilespmem:s7], [sflag:$0x3] =	stream.linear.gather [hbm4b:s14+s4], $0x80, $0x38;
	[tilespmem:$0x1C200] =	vst v63  }
0x58: {  	_ =	swait.ge [sflag:s30], $0x80  }
0x59: {  	[sflag:s30] =	ssyncset.done $0x0  }
0x5a: {  	[sflag:s30] =	ssyncadd.s32 $0xFFFFFF80  }
0x5b: {  	[tilespmem:s8], [sflag:$0x2] =	stream.indirect.gather [hbm4b:s1+s3], $0x80, s6, s3, $0xb8;
	[tilespmem:$0x1C200] =	vst v63  }
0x5c: {  	_ =	swait.ge [sflag:s9], $0x4000  }
0x5d: {  	[sflag:s9] =	ssyncset.done $0x0  }
0x5e: {  	[sflag:s9] =	ssyncadd.s32 $0xFFFFC000  }
0x5f: {  	[spmem:s2] =	stream.indirect.scatter.add.f32 [tilespmem:s29], [sflag:$0x3], $0x80, s0, s3, $0xb8;
	[tilespmem:$0x1C200] =	vst v63  }
0x60: {  	_ =	swait.ge [sflag:s30], $0x4000  }
0x61: {  	[sflag:s30] =	ssyncset.done $0x0  }
0x62: {  	s15 =	sadd.s32 $0x0, s18;
	[sflag:s30] =	ssyncadd.s32 $0xFFFFC000  }
0x63: {  	[tilespmem:s31], [sflag:$0x3] =	stream.linear.gather [hbm4b:s15+s4], $0x80, $0x38;
	[tilespmem:$0x1C200] =	vst v63  }
0x64: {  	_ =	swait.ge [sflag:s30], $0x80  }
0x65: {  	[sflag:s30] =	ssyncset.done $0x0  }
0x66: {  	s16 =	sadd.s32 $0x0, s17;
	[sflag:s30] =	ssyncadd.s32 $0xFFFFFF80  }
0x67: {  	[tilespmem:s0], [sflag:$0x3] =	stream.linear.gather [hbm4b:s16+s4], $0x80, $0x38;
	[tilespmem:$0x1C200] =	vst v63  }
0x68: {  	_ =	swait.ge [sflag:s30], $0x80  }
0x69: {  	[sflag:s30] =	ssyncset.done $0x0  }
0x6a: {  	[sflag:s30] =	ssyncadd.s32 $0xFFFFFF80  }
0x6b: {  	[tilespmem:s29], [sflag:$0x1] =	stream.indirect.gather [hbm4b:s1+s3], $0x80, s31, s3, $0xb8;
	[tilespmem:$0x1C200] =	vst v63  }
0x6c: {  	_ =	swait.ge [sflag:s10], $0x4000  }
0x6d: {  	[sflag:s10] =	ssyncset.done $0x0  }
0x6e: {  	[sflag:s10] =	ssyncadd.s32 $0xFFFFC000  }
0x6f: {  	[spmem:s2] =	stream.indirect.scatter.add.f32 [tilespmem:s8], [sflag:$0x3], $0x80, s7, s3, $0xb8;
	[tilespmem:$0x1C200] =	vst v63  }
0x70: {  	_ =	swait.ge [sflag:s30], $0x4000  }
0x71: {  	s12 =	simm.s32 $0x20;
	s13 =	simm.s32 $0x40;
	[sflag:s30] =	ssyncset.done $0x0  }
.LBB2_4:
0x72: {  	s15 =	sadd.s32 s12, s20  }
0x73: {  	[sflag:s30] =	ssyncadd.s32 $0xFFFFC000;
	s16 =	smov.u32 s13;
	s14 =	sadd.s32 $0x20, s13  }
0x74: {  	[tilespmem:s6], [sflag:$0x3] =	stream.linear.gather [hbm4b:s15+s4], $0x80, $0x38;
	[tilespmem:$0x1C200] =	vst v63  }
0x75: {  	p0 =	sne.s32 s13, $0x4C0;
	_ =	swait.ge [sflag:s30], $0x80  }
0x76: {  	[sflag:s30] =	ssyncset.done $0x0  }
0x77: {  	s13 =	sadd.s32 s12, s19;
	[sflag:s30] =	ssyncadd.s32 $0xFFFFFF80  }
0x78: {  	[tilespmem:s7], [sflag:$0x3] =	stream.linear.gather [hbm4b:s13+s4], $0x80, $0x38;
	[tilespmem:$0x1C200] =	vst v63  }
0x79: {  	_ =	swait.ge [sflag:s30], $0x80  }
0x7a: {  	[sflag:s30] =	ssyncset.done $0x0  }
0x7b: {  	[sflag:s30] =	ssyncadd.s32 $0xFFFFFF80  }
0x7c: {  	[tilespmem:s8], [sflag:$0x2] =	stream.indirect.gather [hbm4b:s1+s3], $0x80, s6, s3, $0xb8;
	[tilespmem:$0x1C200] =	vst v63  }
0x7d: {  	_ =	swait.ge [sflag:s9], $0x4000  }
0x7e: {  	[sflag:s9] =	ssyncset.done $0x0  }
0x7f: {  	[sflag:s9] =	ssyncadd.s32 $0xFFFFC000  }
0x80: {  	[spmem:s2] =	stream.indirect.scatter.add.f32 [tilespmem:s29], [sflag:$0x3], $0x80, s0, s3, $0xb8;
	[tilespmem:$0x1C200] =	vst v63  }
0x81: {  	_ =	swait.ge [sflag:s30], $0x4000  }
0x82: {  	[sflag:s30] =	ssyncset.done $0x0  }
0x83: {  	s13 =	sadd.s32 s12, s18;
	[sflag:s30] =	ssyncadd.s32 $0xFFFFC000  }
0x84: {  	[tilespmem:s31], [sflag:$0x3] =	stream.linear.gather [hbm4b:s13+s4], $0x80, $0x38;
	[tilespmem:$0x1C200] =	vst v63  }
0x85: {  	_ =	swait.ge [sflag:s30], $0x80  }
0x86: {  	[sflag:s30] =	ssyncset.done $0x0  }
0x87: {  	s13 =	sadd.s32 s12, s17;
	s12 =	smov.u32 s16;
	[sflag:s30] =	ssyncadd.s32 $0xFFFFFF80  }
0x88: {  	[tilespmem:s0], [sflag:$0x3] =	stream.linear.gather [hbm4b:s13+s4], $0x80, $0x38;
	[tilespmem:$0x1C200] =	vst v63  }
0x89: {  	_ =	swait.ge [sflag:s30], $0x80  }
0x8a: {  	[sflag:s30] =	ssyncset.done $0x0  }
0x8b: {  	[sflag:s30] =	ssyncadd.s32 $0xFFFFFF80  }
0x8c: {  	[tilespmem:s29], [sflag:$0x1] =	stream.indirect.gather [hbm4b:s1+s3], $0x80, s31, s3, $0xb8;
	[tilespmem:$0x1C200] =	vst v63  }
0x8d: {  	_ =	swait.ge [sflag:s10], $0x4000  }
.Ltmp1:
0x8e: {  	[sflag:s10] =	ssyncset.done $0x0;
	(pc) =	sbr.rel @p0 .LBB2_4-.Ltmp1, $4  }
0x8f: {  	[sflag:s10] =	ssyncadd.s32 $0xFFFFC000  }
0x90: {  	[spmem:s2] =	stream.indirect.scatter.add.f32 [tilespmem:s8], [sflag:$0x3], $0x80, s7, s3, $0xb8;
	[tilespmem:$0x1C200] =	vst v63  }
0x91: {  	_ =	swait.ge [sflag:s30], $0x4000  }
0x92: {  	s13 =	smov.u32 s14;
	[sflag:s30] =	ssyncset.done $0x0  }
0x93: {  	s13 =	sadd.s32 s12, s20;
	[sflag:s30] =	ssyncadd.s32 $0xFFFFC000  }
0x94: {  	[tilespmem:s6], [sflag:$0x3] =	stream.linear.gather [hbm4b:s13+s4], $0x80, $0x38;
	[tilespmem:$0x1C200] =	vst v63  }
0x95: {  	_ =	swait.ge [sflag:s30], $0x80  }
0x96: {  	[sflag:s30] =	ssyncset.done $0x0  }
0x97: {  	s14 =	sadd.s32 s12, s19;
	[sflag:s30] =	ssyncadd.s32 $0xFFFFFF80  }
0x98: {  	[tilespmem:s7], [sflag:$0x3] =	stream.linear.gather [hbm4b:s14+s4], $0x80, $0x38;
	[tilespmem:$0x1C200] =	vst v63  }
0x99: {  	_ =	swait.ge [sflag:s30], $0x80  }
0x9a: {  	[sflag:s30] =	ssyncset.done $0x0  }
0x9b: {  	[sflag:s30] =	ssyncadd.s32 $0xFFFFFF80  }
0x9c: {  	[tilespmem:s8], [sflag:$0x2] =	stream.indirect.gather [hbm4b:s1+s3], $0x80, s6, s3, $0xb8;
	[tilespmem:$0x1C200] =	vst v63  }
0x9d: {  	_ =	swait.ge [sflag:s9], $0x4000  }
0x9e: {  	[sflag:s9] =	ssyncset.done $0x0  }
0x9f: {  	[sflag:s9] =	ssyncadd.s32 $0xFFFFC000  }
0xa0: {  	[spmem:s2] =	stream.indirect.scatter.add.f32 [tilespmem:s29], [sflag:$0x3], $0x80, s0, s3, $0xb8;
	[tilespmem:$0x1C200] =	vst v63  }
0xa1: {  	_ =	swait.ge [sflag:s30], $0x4000  }
0xa2: {  	[sflag:s30] =	ssyncset.done $0x0  }
0xa3: {  	s15 =	sadd.s32 s12, s18;
	[sflag:s30] =	ssyncadd.s32 $0xFFFFC000  }
0xa4: {  	[tilespmem:s31], [sflag:$0x3] =	stream.linear.gather [hbm4b:s15+s4], $0x80, $0x38;
	[tilespmem:$0x1C200] =	vst v63  }
0xa5: {  	_ =	swait.ge [sflag:s30], $0x80  }
0xa6: {  	[sflag:s30] =	ssyncset.done $0x0  }
0xa7: {  	s16 =	sadd.s32 s12, s17;
	[sflag:s30] =	ssyncadd.s32 $0xFFFFFF80  }
0xa8: {  	[tilespmem:s0], [sflag:$0x3] =	stream.linear.gather [hbm4b:s16+s4], $0x80, $0x38;
	[tilespmem:$0x1C200] =	vst v63  }
0xa9: {  	_ =	swait.ge [sflag:s30], $0x80  }
0xaa: {  	[sflag:s30] =	ssyncset.done $0x0  }
0xab: {  	[sflag:s30] =	ssyncadd.s32 $0xFFFFFF80  }
0xac: {  	[tilespmem:s29], [sflag:$0x1] =	stream.indirect.gather [hbm4b:s1+s3], $0x80, s31, s3, $0xb8;
	[tilespmem:$0x1C200] =	vst v63  }
0xad: {  	_ =	swait.ge [sflag:s10], $0x4000  }
0xae: {  	[sflag:s10] =	ssyncset.done $0x0  }
0xaf: {  	[sflag:s10] =	ssyncadd.s32 $0xFFFFC000  }
0xb0: {  	[spmem:s2] =	stream.indirect.scatter.add.f32 [tilespmem:s8], [sflag:$0x3], $0x80, s7, s3, $0xb8;
	[tilespmem:$0x1C200] =	vst v63  }
0xb1: {  	_ =	swait.ge [sflag:s30], $0x4000  }
0xb2: {  	[sflag:s30] =	ssyncset.done $0x0  }
0xb3: {  	s13 =	rddreg [dreg:$0x7];
	[sflag:s30] =	ssyncadd.s32 $0xFFFFC000  }
0xb4: {  	[tilespmem:s6], [sflag:$0x3] =	stream.linear.gather [hbm4b:s13+s4], $0x80, $0x38;
	[tilespmem:$0x1C200] =	vst v63  }
0xb5: {  	_ =	swait.ge [sflag:s30], $0x80  }
0xb6: {  	[sflag:s30] =	ssyncset.done $0x0  }
0xb7: {  	s14 =	rddreg [dreg:$0x9];
	[sflag:s30] =	ssyncadd.s32 $0xFFFFFF80  }
0xb8: {  	[tilespmem:s7], [sflag:$0x3] =	stream.linear.gather [hbm4b:s14+s4], $0x80, $0x38;
	[tilespmem:$0x1C200] =	vst v63  }
0xb9: {  	_ =	swait.ge [sflag:s30], $0x80  }
0xba: {  	[sflag:s30] =	ssyncset.done $0x0  }
0xbb: {  	[sflag:s30] =	ssyncadd.s32 $0xFFFFFF80  }
0xbc: {  	[tilespmem:s8], [sflag:$0x2] =	stream.indirect.gather [hbm4b:s1+s3], $0x80, s6, s3, $0xb8;
	[tilespmem:$0x1C200] =	vst v63  }
0xbd: {  	_ =	swait.ge [sflag:s9], $0x4000  }
0xbe: {  	[sflag:s9] =	ssyncset.done $0x0  }
0xbf: {  	[sflag:s9] =	ssyncadd.s32 $0xFFFFC000  }
0xc0: {  	[spmem:s2] =	stream.indirect.scatter.add.f32 [tilespmem:s29], [sflag:$0x3], $0x80, s0, s3, $0xb8;
	[tilespmem:$0x1C200] =	vst v63  }
0xc1: {  	_ =	swait.ge [sflag:s30], $0x4000  }
0xc2: {  	[sflag:s30] =	ssyncset.done $0x0  }
0xc3: {  	[sflag:s30] =	ssyncadd.s32 $0xFFFFC000  }
0xc4: {  	_ =	swait.ge [sflag:s10], $0x4000  }
0xc5: {  	[sflag:s10] =	ssyncset.done $0x0  }
0xc6: {  	[sflag:s10] =	ssyncadd.s32 $0xFFFFC000  }
0xc7: {  	[spmem:s2] =	stream.indirect.scatter.add.f32 [tilespmem:s8], [sflag:$0x3], $0x80, s7, s3, $0xb8;
	[tilespmem:$0x1C200] =	vst v63  }
0xc8: {  	_ =	swait.ge [sflag:s30], $0x4000  }
0xc9: {  	[sflag:s30] =	ssyncset.done $0x0  }
0xca: {  	[sflag:s30] =	ssyncadd.s32 $0xFFFFC000  }
0xcb: {  	[bflag:$0x0] =	sbarrier.arrive $0xFFFF  }
0xcc: {  	[tilespmem:s29], [sflag:$0x3] =	stream.linear.gather [spmem:s5], $0x4000, $0x38;
	[tilespmem:$0x1C200] =	vst v63  }
0xcd: {  	_ =	swait.ge [sflag:s30], $0x4000  }
0xce: {  	[sflag:s30] =	ssyncset.done $0x0  }
0xcf: {  	s15 =	rddreg [dreg:$0xa];
	[sflag:s30] =	ssyncadd.s32 $0xFFFFC000  }
0xd0: {  	[hbm4b:s15+s4] =	stream.linear.scatter [tilespmem:s29], [sflag:$0x3], $0x4000, $0x38;
	[tilespmem:$0x1C200] =	vst v63  }
0xd1: {  	_ =	swait.ge [sflag:s30], $0x4000  }
0xd2: {  	[sflag:s30] =	ssyncset.done $0x0  }
0xd3: {  	[sflag:s30] =	ssyncadd.s32 $0xFFFFC000  }
0xd4: {  	[tilespmem:s29], [sflag:$0x3] =	stream.linear.gather [spmem:s22], $0x4000, $0x38;
	[tilespmem:$0x1C200] =	vst v63  }
0xd5: {  	_ =	swait.ge [sflag:s30], $0x4000  }
0xd6: {  	[sflag:s30] =	ssyncset.done $0x0  }
0xd7: {  	s16 =	rddreg [dreg:$0xb];
	[sflag:s30] =	ssyncadd.s32 $0xFFFFC000  }
0xd8: {  	[hbm4b:s16+s4] =	stream.linear.scatter [tilespmem:s29], [sflag:$0x3], $0x4000, $0x38;
	[tilespmem:$0x1C200] =	vst v63  }
0xd9: {  	_ =	swait.ge [sflag:s30], $0x4000  }
0xda: {  	[sflag:s30] =	ssyncset.done $0x0  }
0xdb: {  	[sflag:s30] =	ssyncadd.s32 $0xFFFFC000  }
0xdc: {  	[tilespmem:s29], [sflag:$0x3] =	stream.linear.gather [spmem:s23], $0x4000, $0x38;
	[tilespmem:$0x1C200] =	vst v63  }
0xdd: {  	_ =	swait.ge [sflag:s30], $0x4000  }
0xde: {  	[sflag:s30] =	ssyncset.done $0x0  }
0xdf: {  	s13 =	rddreg [dreg:$0xc];
	[sflag:s30] =	ssyncadd.s32 $0xFFFFC000  }
0xe0: {  	[hbm4b:s13+s4] =	stream.linear.scatter [tilespmem:s29], [sflag:$0x3], $0x4000, $0x38;
	[tilespmem:$0x1C200] =	vst v63  }
0xe1: {  	_ =	swait.ge [sflag:s30], $0x4000  }
0xe2: {  	[sflag:s30] =	ssyncset.done $0x0  }
0xe3: {  	[sflag:s30] =	ssyncadd.s32 $0xFFFFC000  }
0xe4: {  	[tilespmem:s29], [sflag:$0x3] =	stream.linear.gather [spmem:s24], $0x4000, $0x38;
	[tilespmem:$0x1C200] =	vst v63  }
0xe5: {  	_ =	swait.ge [sflag:s30], $0x4000  }
0xe6: {  	[sflag:s30] =	ssyncset.done $0x0  }
0xe7: {  	s14 =	rddreg [dreg:$0xd];
	[sflag:s30] =	ssyncadd.s32 $0xFFFFC000  }
0xe8: {  	[hbm4b:s14+s4] =	stream.linear.scatter [tilespmem:s29], [sflag:$0x3], $0x4000, $0x38;
	[tilespmem:$0x1C200] =	vst v63  }
0xe9: {  	_ =	swait.ge [sflag:s30], $0x4000  }
0xea: {  	[sflag:s30] =	ssyncset.done $0x0  }
0xeb: {  	[sflag:s30] =	ssyncadd.s32 $0xFFFFC000  }
0xec: {  	[tilespmem:s29], [sflag:$0x3] =	stream.linear.gather [spmem:s25], $0x4000, $0x38;
	[tilespmem:$0x1C200] =	vst v63  }
0xed: {  	_ =	swait.ge [sflag:s30], $0x4000  }
0xee: {  	[sflag:s30] =	ssyncset.done $0x0  }
0xef: {  	s15 =	rddreg [dreg:$0xe];
	[sflag:s30] =	ssyncadd.s32 $0xFFFFC000  }
0xf0: {  	[hbm4b:s15+s4] =	stream.linear.scatter [tilespmem:s29], [sflag:$0x3], $0x4000, $0x38;
	[tilespmem:$0x1C200] =	vst v63  }
0xf1: {  	_ =	swait.ge [sflag:s30], $0x4000  }
0xf2: {  	s11 =	sadd.s32 $0x1, s11;
	s16 =	rddreg [dreg:$0x6]  }
0xf3: {  	p0 =	sne.s32 s11, s16  }
.Ltmp2:
0xf4: {  	_ = 	snop;
	(pc) =	sbr.rel @p0 .LBB2_1-.Ltmp2, $3  }
0xf5: {  	_ =	sdelay $0x1  }
0xf6: {  	[sflag:s30] =	ssyncset.done $0x0  }
0xf7: {  	[sflag:s30] =	ssyncadd.s32 $0xFFFFC000  }
0xf8: {  	_ =	sfence.sel $0x180000  }
0xf9: {  	[bflag:$0x0] =	sbarrier.arrive $0xFFFF  }
0xfa: {  	_ =	strace $0x90000047  }
0xfb: {  	s0 =	stileid.u32;
	[bflag:$0x2] =	sbarrier.arrive $0xFFFF  }
0xfc: {  	p0 =	sne.s32 s0, $0x0;
	s0 =	rddreg [dreg:$0x3]  }
0xfd: {  	s0 =	sadd.s32 @!p0 $0x100000, s0  }
0xfe: {  	[sflag:s0] =	ssyncadd.tile.s32 @!p0 $0x1;
	_ =	shalt  }
.Lfunc_end2:
_tile_overlayer_lowered:
.L_overlay_start_2:
0xff: {  	(tag) =	ssettag $0x2  }
0x100: {  	s0 =	rddreg [dreg:$0x0];
	s2 =	stileid.u32  }
0x101: {  	s1 =	rddreg [dreg:$0x1];
	p0 =	sne.s32 s2, $0x0  }
0x102: {  	s3 =	rddreg [dreg:$0x2];
	[bflag:$0x3] =	sbarrier.arrive $0xFFFF;
	s2 =	simm.s32 @!p0 $0x1C03  }
0x103: {  	[timem:s3], [sflag:s2] =	dma.local @!p0 [hbm:s0], s1  }
0x104: {  	s0 =	simm.s32 @!p0 $0x3  }
0x105: {  	_ =	swait.ge @!p0 [sflag:s0], s1  }
0x106: {  	s1 =	ssub.s32 @!p0 $0x0, s1;
	[sflag:s0] =	ssyncset.done @!p0 $0x0  }
0x107: {  	[sflag:s0] =	ssyncadd.s32 @!p0 s1  }
0x108: {  	[bflag:$0x3] =	sbarrier.arrive $0xFFFF  }
0x109: {  	_ =	shalt  }

</sc_bundles>
